<compile_context>
chip_gen: v7x
topology: tpu7x:2x2x1
jax: 0.10.2.dev20260603
libtpu: 0.0.44.dev20260713+nightly
codegen_flags: <defaults>
</compile_context>

<pallas_src>
import functools

import jax
import jax.numpy as jnp
from jax import lax
from jax.experimental import pallas as pl
from jax.experimental.pallas import tpu as pltpu
from jax.experimental.pallas import tpu_sc as plsc

NC = 2
NS = 16
NW = NC * NS
CHUNK = 128
BLK = 1000



def _matmul_body(x_ref, w_ref, h_ref):
    h_ref[...] = jnp.dot(x_ref[...], w_ref[...],
                         preferred_element_type=jnp.float32)


def _scale_body(dp_ref, h_ref, g_ref):
    deg = dp_ref[0] + dp_ref[1] + 1.0
    g_ref[...] = lax.rsqrt(deg) * h_ref[...]


def _combine_body(s_ref, g_ref, dp_ref, b_ref, o_ref):
    deg = dp_ref[0] + dp_ref[1] + 1.0
    acc = s_ref[0] + s_ref[1] + g_ref[...]
    o_ref[...] = lax.rsqrt(deg) * acc + b_ref[...]


@functools.lru_cache(maxsize=None)
def _tc_calls(n, f):
    grid = (n // BLK,)
    row_spec = pl.BlockSpec((BLK, f), lambda i: (i, 0))
    dp_spec = pl.BlockSpec((NC, BLK, 1), lambda i: (0, i, 0))
    matmul = pl.pallas_call(
        _matmul_body,
        grid=grid,
        in_specs=[row_spec, pl.BlockSpec((f, f), lambda i: (0, 0))],
        out_specs=row_spec,
        out_shape=jax.ShapeDtypeStruct((n, f), jnp.float32),
    )
    scale = pl.pallas_call(
        _scale_body,
        grid=grid,
        in_specs=[dp_spec, row_spec],
        out_specs=row_spec,
        out_shape=jax.ShapeDtypeStruct((n, f), jnp.float32),
    )
    combine = pl.pallas_call(
        _combine_body,
        grid=grid,
        in_specs=[pl.BlockSpec((NC, BLK, f), lambda i: (0, i, 0)),
                  row_spec, dp_spec,
                  pl.BlockSpec((1, f), lambda i: (0, 0))],
        out_specs=row_spec,
        out_shape=jax.ShapeDtypeStruct((n, f), jnp.float32),
    )
    return matmul, scale, combine



@functools.lru_cache(maxsize=None)
def _sc_calls(n, f, cpt):
    out_rows = -(-n // (NS * 8)) * (NS * 8)
    out_pt = out_rows // NS
    acc_rows = out_rows
    init_pt = out_pt
    trash = n

    mesh = plsc.VectorSubcoreMesh(core_axis_name="c", subcore_axis_name="s")

    hrows = (out_rows + CHUNK) // CHUNK

    def _deg_kernel(colp, zeros_h, out_h, colv, hist, iotav, acc):
        cid = lax.axis_index("c")
        sid = lax.axis_index("s")
        wid = sid * NC + cid
        pltpu.sync_copy(zeros_h, hist)

        @pl.when(sid == 0)
        def _():
            pltpu.sync_copy(zeros_h, acc)

        pltpu.sync_copy(colp.at[wid], colv)
        for k in range(hrows // 16):
            iotav[pl.ds(k * 16, 16)] = lax.iota(jnp.int32, 16) + k * 16
        plsc.subcore_barrier()

        ones16 = jnp.ones((16,), jnp.float32)

        def body(j, carry):
            for k in range(CHUNK // 16):
                idx = colv[j, pl.ds(k * 16, 16)]
                plsc.addupdate_scatter(hist, [idx >> 7, idx & 127], ones16)
            return carry

        lax.fori_loop(0, cpt, body, 0)
        pltpu.sync_copy(hist, acc.at[iotav], add=True)
        plsc.subcore_barrier()

        @pl.when(sid < hrows // 8)
        def _():
            off = pl.multiple_of(sid * 8, 8)
            pltpu.sync_copy(acc.at[pl.ds(off, 8)],
                            out_h.at[cid, pl.ds(off, 8)])

    deg_call = pl.kernel(
        _deg_kernel,
        compiler_params=pltpu.CompilerParams(needs_layout_passes=False),
        out_type=jax.ShapeDtypeStruct((NC, hrows, CHUNK), jnp.float32),
        mesh=mesh,
        scratch_types=[
            pltpu.VMEM((cpt, CHUNK), jnp.int32),
            pltpu.VMEM((hrows, CHUNK), jnp.float32),
            pltpu.VMEM((hrows,), jnp.int32),
            pltpu.VMEM_SHARED((hrows, CHUNK), jnp.float32),
        ],
    )


    def _scat_kernel(g_h, rowp, colp, zeros_h, out_h, rowv, colv, buf, sem,
                     acc):
        cid = lax.axis_index("c")
        sid = lax.axis_index("s")
        wid = sid * NC + cid
        ioff = pl.multiple_of(sid * init_pt, 8)
        ooff = pl.multiple_of(sid * out_pt, 8)
        pltpu.sync_copy(zeros_h.at[pl.ds(ioff, init_pt)],
                        acc.at[pl.ds(ioff, init_pt)])
        pltpu.sync_copy(rowp.at[wid], rowv)
        pltpu.sync_copy(colp.at[wid], colv)
        plsc.subcore_barrier()

        def body(j, carry):
            pltpu.async_copy(g_h.at[rowv.at[j]], buf, sem).wait()
            pltpu.sync_copy(buf, acc.at[colv.at[j]], add=True)
            return carry

        lax.fori_loop(0, cpt, body, 0)
        plsc.subcore_barrier()
        pltpu.sync_copy(acc.at[pl.ds(ooff, out_pt)],
                        out_h.at[cid, pl.ds(ooff, out_pt)])

    scat_call = pl.kernel(
        _scat_kernel,
        out_type=jax.ShapeDtypeStruct((NC, out_rows, f), jnp.float32),
        mesh=mesh,
        scratch_types=[
            pltpu.VMEM((cpt, CHUNK), jnp.int32),
            pltpu.VMEM((cpt, CHUNK), jnp.int32),
            pltpu.VMEM((CHUNK, f), jnp.float32),
            pltpu.SemaphoreType.DMA,
            pltpu.VMEM_SHARED((acc_rows, f), jnp.float32),
        ],
    )

    return deg_call, scat_call, acc_rows, trash, hrows



def kernel(x, edge_index, edge_attr, W, b):
    del edge_attr
    n, f = x.shape
    e = edge_index.shape[1]
    cpt = -(-e // (NW * CHUNK))
    e_pad = NW * cpt * CHUNK
    pad = e_pad - e

    matmul, scale, combine = _tc_calls(n, f)
    deg_call, scat_call, acc_rows, trash, hrows = _sc_calls(n, f, cpt)

    row = edge_index[0]
    col = edge_index[1]
    rowp2 = jnp.concatenate(
        [row, jnp.zeros((pad,), jnp.int32)]).reshape(NW, cpt, CHUNK)
    colp = jnp.concatenate(
        [col, jnp.full((pad,), trash, jnp.int32)]).reshape(NW, cpt, CHUNK)
    colp2 = colp

    zerosd = jnp.zeros((hrows, CHUNK), jnp.float32)
    zerosf = jnp.zeros((acc_rows, f), jnp.float32)

    degpart = deg_call(colp, zerosd)
    dp = degpart.reshape(NC, hrows * CHUNK)[:, :n].reshape(NC, n, 1)
    h = matmul(x, W)
    g = scale(dp, h)
    s = scat_call(g, rowp2, colp2, zerosf)
    out = combine(s, g, dp, b.reshape(1, f))
    return out

# --- scband reference (transcript-rebuilt; emitter-appended) ---
"""Pipeline reference for scband-gcnconv-3693671875305 (READ-ONLY COPY).

The authoritative reference and input builder live on the scoring server;
editing this copy changes nothing except your own understanding.
"""

import jax, jax.numpy as jnp
import numpy as np

N = 10000
E = 320000
NIN = 128
NOUT = 128
D_EDGE = 16


def setup_inputs(seed: int = 0) -> dict:
    key = jax.random.key(seed)
    k1, k2, k3, k4 = jax.random.split(key, 4)
    x = jax.random.normal(k1, (N, NIN), dtype=jnp.float32)
    edge_index = jax.random.randint(k2, (2, E), 0, N, dtype=jnp.int32)
    edge_attr = jax.random.normal(k3, (E, D_EDGE), dtype=jnp.float32)
    # learned parameters of gnn.GCNConv(nin, nout, bias=True)
    W = jax.random.normal(k4, (NIN, NOUT), dtype=jnp.float32) * (1.0 / np.sqrt(NIN))
    b = jnp.zeros((NOUT,), dtype=jnp.float32)
    return {"x": x, "edge_index": edge_index, "edge_attr": edge_attr, "W": W, "b": b}


def reference(x, edge_index, edge_attr, W, b):
    # Faithful GCNConv: add self-loops, symmetric normalization, linear, scatter-add, bias.
    # edge_attr is accepted but unused (matches the torch module's forward).
    row = edge_index[0]
    col = edge_index[1]
    loop = jnp.arange(N, dtype=row.dtype)
    row = jnp.concatenate([row, loop])
    col = jnp.concatenate([col, loop])
    edge_weight = jnp.ones((row.shape[0],), dtype=x.dtype)
    deg = jax.ops.segment_sum(edge_weight, col, num_segments=N)
    deg_inv_sqrt = jnp.where(deg > 0, jax.lax.rsqrt(jnp.maximum(deg, 1e-12)), 0.0)
    norm = deg_inv_sqrt[row] * deg_inv_sqrt[col]
    h = x @ W
    msgs = norm[:, None] * jnp.take(h, row, axis=0)
    out = jax.ops.segment_sum(msgs, col, num_segments=N)
    out = out + b
    return out

if __name__ == "__main__":
    import jax
    _d = setup_inputs()
    print(jax.jit(kernel)(*tuple(_d.values())))

</pallas_src>

<mosaic_0001>
#map = affine_map<(d0, d1) -> (0, 0)>
#map1 = affine_map<(d0, d1) -> (0, 0, 0)>
module attributes {stable_mosaic.version = 14 : i64} {
  func.func @_scat_kernel(%arg0: i32, %arg1: i32, %arg2: memref<10000x128xf32, #tpu.memory_space<hbm>>, %arg3: memref<32x79x128xi32, #tpu.memory_space<hbm>>, %arg4: memref<32x79x128xi32, #tpu.memory_space<hbm>>, %arg5: memref<10112x128xf32, #tpu.memory_space<hbm>>, %arg6: memref<2x10112x128xf32, #tpu.memory_space<hbm>>, %arg7: memref<79x128xi32, #tpu.memory_space<vmem>>, %arg8: memref<79x128xi32, #tpu.memory_space<vmem>>, %arg9: memref<128x128xf32, #tpu.memory_space<vmem>>, %arg10: memref<!tpu.dma_semaphore, #tpu.memory_space<semaphore_mem>>, %arg11: memref<10112x128xf32, #tpu.memory_space<vmem_shared>>) attributes {dimension_semantics = [#tpu.dimension_semantics<core_parallel>, #tpu.dimension_semantics<subcore_parallel>], iteration_bounds = array<i64: 2, 16>, scalar_prefetch = 0 : i64, scratch_operands = 5 : i64, tpu.core_type = #tpu.core_type<sc_vector_subcore>, window_params = [{transform_indices = #map}, {transform_indices = #map1}, {transform_indices = #map1}, {transform_indices = #map}, {transform_indices = #map1}]} {
    %mul3A = arith.constant 2 : i32
    %mul3A_0 = arith.muli %arg1, %mul3A : i32
    %add3A = arith.addi %mul3A_0, %arg0 : i32
    %mul3A_1 = arith.constant 632 : i32
    %mul3A_2 = arith.muli %arg1, %mul3A_1 : i32
    %multiple_of3A = tpu.assume_multiple %mul3A_2, 8 : i32
    %mul3A_3 = arith.constant 632 : i32
    %mul3A_4 = arith.muli %arg1, %mul3A_3 : i32
    %multiple_of3A_5 = tpu.assume_multiple %mul3A_4, 8 : i32
    "tpu.region"() ({
      %run_scoped3A = tpu.sem_alloc : memref<!tpu.dma_semaphore, #tpu.memory_space<semaphore_mem>>
      %dma_start3A = arith.constant 0 : i32
      %dma_start3A_12 = tpu.memref_slice %arg11[%multiple_of3A, %dma_start3A] : memref<10112x128xf32, #tpu.memory_space<vmem_shared>> -> memref<632x128xf32, #tpu.memory_space<vmem_shared>>
      %dma_start3A_13 = arith.constant 0 : i32
      %dma_start3A_14 = tpu.memref_slice %arg5[%multiple_of3A, %dma_start3A_13] : memref<10112x128xf32, #tpu.memory_space<hbm>> -> memref<632x128xf32, #tpu.memory_space<hbm>>
      tpu.enqueue_dma source(%dma_start3A_14 : memref<632x128xf32, #tpu.memory_space<hbm>>) target(%dma_start3A_12 : memref<632x128xf32, #tpu.memory_space<vmem_shared>>) target_semaphore(%run_scoped3A : memref<!tpu.dma_semaphore, #tpu.memory_space<semaphore_mem>>)
      %dma_wait3A = arith.constant 0 : i32
      %dma_wait3A_15 = tpu.memref_slice %arg11[%multiple_of3A, %dma_wait3A] : memref<10112x128xf32, #tpu.memory_space<vmem_shared>> -> memref<632x128xf32, #tpu.memory_space<vmem_shared>>
      %dma_wait3A_16 = arith.constant 0 : i32
      %dma_wait3A_17 = tpu.memref_slice %arg5[%multiple_of3A, %dma_wait3A_16] : memref<10112x128xf32, #tpu.memory_space<hbm>> -> memref<632x128xf32, #tpu.memory_space<hbm>>
      tpu.wait_dma2 semaphore(%run_scoped3A : memref<!tpu.dma_semaphore, #tpu.memory_space<semaphore_mem>>) src(%dma_wait3A_17 : memref<632x128xf32, #tpu.memory_space<hbm>>) dst(%dma_wait3A_15 : memref<632x128xf32, #tpu.memory_space<vmem_shared>>)
      tpu.yield
    }) : () -> ()
    "tpu.region"() ({
      %run_scoped3A = tpu.sem_alloc : memref<!tpu.dma_semaphore, #tpu.memory_space<semaphore_mem>>
      %dma_start3A = arith.constant 0 : i32
      %dma_start3A_12 = arith.constant 0 : i32
      %dma_start3A_13 = tpu.memref_slice %arg3[%add3A, %dma_start3A, %dma_start3A_12] : memref<32x79x128xi32, #tpu.memory_space<hbm>> -> memref<1x79x128xi32, #tpu.memory_space<hbm>>
      %dma_start3A_14 = tpu.memref_squeeze %dma_start3A_13 : memref<1x79x128xi32, #tpu.memory_space<hbm>> -> memref<79x128xi32, #tpu.memory_space<hbm>>
      %dma_start3A_15 = arith.constant 0 : i32
      %dma_start3A_16 = arith.constant 0 : i32
      %dma_start3A_17 = tpu.memref_slice %arg3[%add3A, %dma_start3A_15, %dma_start3A_16] : memref<32x79x128xi32, #tpu.memory_space<hbm>> -> memref<1x79x128xi32, #tpu.memory_space<hbm>>
      %dma_start3A_18 = tpu.memref_squeeze %dma_start3A_17 : memref<1x79x128xi32, #tpu.memory_space<hbm>> -> memref<79x128xi32, #tpu.memory_space<hbm>>
      tpu.enqueue_dma source(%dma_start3A_18 : memref<79x128xi32, #tpu.memory_space<hbm>>) target(%arg7 : memref<79x128xi32, #tpu.memory_space<vmem>>) target_semaphore(%run_scoped3A : memref<!tpu.dma_semaphore, #tpu.memory_space<semaphore_mem>>)
      %dma_wait3A = arith.constant 0 : i32
      %dma_wait3A_19 = arith.constant 0 : i32
      %dma_wait3A_20 = tpu.memref_slice %arg3[%add3A, %dma_wait3A, %dma_wait3A_19] : memref<32x79x128xi32, #tpu.memory_space<hbm>> -> memref<1x79x128xi32, #tpu.memory_space<hbm>>
      %dma_wait3A_21 = tpu.memref_squeeze %dma_wait3A_20 : memref<1x79x128xi32, #tpu.memory_space<hbm>> -> memref<79x128xi32, #tpu.memory_space<hbm>>
      %dma_wait3A_22 = arith.constant 0 : i32
      %dma_wait3A_23 = arith.constant 0 : i32
      %dma_wait3A_24 = tpu.memref_slice %arg3[%add3A, %dma_wait3A_22, %dma_wait3A_23] : memref<32x79x128xi32, #tpu.memory_space<hbm>> -> memref<1x79x128xi32, #tpu.memory_space<hbm>>
      %dma_wait3A_25 = tpu.memref_squeeze %dma_wait3A_24 : memref<1x79x128xi32, #tpu.memory_space<hbm>> -> memref<79x128xi32, #tpu.memory_space<hbm>>
      tpu.wait_dma2 semaphore(%run_scoped3A : memref<!tpu.dma_semaphore, #tpu.memory_space<semaphore_mem>>) src(%dma_wait3A_25 : memref<79x128xi32, #tpu.memory_space<hbm>>) dst(%arg7 : memref<79x128xi32, #tpu.memory_space<vmem>>)
      tpu.yield
    }) : () -> ()
    "tpu.region"() ({
      %run_scoped3A = tpu.sem_alloc : memref<!tpu.dma_semaphore, #tpu.memory_space<semaphore_mem>>
      %dma_start3A = arith.constant 0 : i32
      %dma_start3A_12 = arith.constant 0 : i32
      %dma_start3A_13 = tpu.memref_slice %arg4[%add3A, %dma_start3A, %dma_start3A_12] : memref<32x79x128xi32, #tpu.memory_space<hbm>> -> memref<1x79x128xi32, #tpu.memory_space<hbm>>
      %dma_start3A_14 = tpu.memref_squeeze %dma_start3A_13 : memref<1x79x128xi32, #tpu.memory_space<hbm>> -> memref<79x128xi32, #tpu.memory_space<hbm>>
      %dma_start3A_15 = arith.constant 0 : i32
      %dma_start3A_16 = arith.constant 0 : i32
      %dma_start3A_17 = tpu.memref_slice %arg4[%add3A, %dma_start3A_15, %dma_start3A_16] : memref<32x79x128xi32, #tpu.memory_space<hbm>> -> memref<1x79x128xi32, #tpu.memory_space<hbm>>
      %dma_start3A_18 = tpu.memref_squeeze %dma_start3A_17 : memref<1x79x128xi32, #tpu.memory_space<hbm>> -> memref<79x128xi32, #tpu.memory_space<hbm>>
      tpu.enqueue_dma source(%dma_start3A_18 : memref<79x128xi32, #tpu.memory_space<hbm>>) target(%arg8 : memref<79x128xi32, #tpu.memory_space<vmem>>) target_semaphore(%run_scoped3A : memref<!tpu.dma_semaphore, #tpu.memory_space<semaphore_mem>>)
      %dma_wait3A = arith.constant 0 : i32
      %dma_wait3A_19 = arith.constant 0 : i32
      %dma_wait3A_20 = tpu.memref_slice %arg4[%add3A, %dma_wait3A, %dma_wait3A_19] : memref<32x79x128xi32, #tpu.memory_space<hbm>> -> memref<1x79x128xi32, #tpu.memory_space<hbm>>
      %dma_wait3A_21 = tpu.memref_squeeze %dma_wait3A_20 : memref<1x79x128xi32, #tpu.memory_space<hbm>> -> memref<79x128xi32, #tpu.memory_space<hbm>>
      %dma_wait3A_22 = arith.constant 0 : i32
      %dma_wait3A_23 = arith.constant 0 : i32
      %dma_wait3A_24 = tpu.memref_slice %arg4[%add3A, %dma_wait3A_22, %dma_wait3A_23] : memref<32x79x128xi32, #tpu.memory_space<hbm>> -> memref<1x79x128xi32, #tpu.memory_space<hbm>>
      %dma_wait3A_25 = tpu.memref_squeeze %dma_wait3A_24 : memref<1x79x128xi32, #tpu.memory_space<hbm>> -> memref<79x128xi32, #tpu.memory_space<hbm>>
      tpu.wait_dma2 semaphore(%run_scoped3A : memref<!tpu.dma_semaphore, #tpu.memory_space<semaphore_mem>>) src(%dma_wait3A_25 : memref<79x128xi32, #tpu.memory_space<hbm>>) dst(%arg8 : memref<79x128xi32, #tpu.memory_space<vmem>>)
      tpu.yield
    }) : () -> ()
    %barrier3A = arith.constant 0 : index
    tpu.barrier barrier_id(%barrier3A)
    %scan3A = arith.constant 0 : i32
    %scan3A_6 = arith.constant 0 : i32
    %scan3A_7 = arith.constant 79 : i32
    %scan3A_8 = arith.addi %scan3A_6, %scan3A_7 : i32
    %scan3A_9 = arith.constant 1 : i32
    scf.for %scan3A_12 = %scan3A_6 to %scan3A_8 step %scan3A_9  : i32 {
      %dma_start3A = arith.constant 0 : i32
      %dma_start3A_13 = tpu.memref_slice %arg7[%scan3A_12, %dma_start3A] : memref<79x128xi32, #tpu.memory_space<vmem>> -> memref<1x128xi32, #tpu.memory_space<vmem>>
      %dma_start3A_14 = tpu.memref_squeeze %dma_start3A_13 : memref<1x128xi32, #tpu.memory_space<vmem>> -> memref<128xi32, #tpu.memory_space<vmem>>
      %dma_start3A_15 = arith.constant 0 : i32
      %dma_start3A_16 = arith.constant 0 : i32
      %dma_start3A_17 = tpu.memref_slice %arg2[%dma_start3A_15, %dma_start3A_16] : memref<10000x128xf32, #tpu.memory_space<hbm>> -> memref<10000x128xf32, #tpu.memory_space<hbm>>
      tpu.enqueue_indirect_dma source(%dma_start3A_17 : memref<10000x128xf32, #tpu.memory_space<hbm>>) target(%arg9 : memref<128x128xf32, #tpu.memory_space<vmem>>) offsets(%dma_start3A_14 : memref<128xi32, #tpu.memory_space<vmem>>) semaphore(%arg10 : memref<!tpu.dma_semaphore, #tpu.memory_space<semaphore_mem>>)
      %dma_wait3A = arith.constant 0 : i32
      %dma_wait3A_18 = tpu.memref_slice %arg7[%scan3A_12, %dma_wait3A] : memref<79x128xi32, #tpu.memory_space<vmem>> -> memref<1x128xi32, #tpu.memory_space<vmem>>
      %dma_wait3A_19 = tpu.memref_squeeze %dma_wait3A_18 : memref<1x128xi32, #tpu.memory_space<vmem>> -> memref<128xi32, #tpu.memory_space<vmem>>
      %dma_wait3A_20 = arith.constant 0 : i32
      %dma_wait3A_21 = arith.constant 0 : i32
      %dma_wait3A_22 = tpu.memref_slice %arg2[%dma_wait3A_20, %dma_wait3A_21] : memref<10000x128xf32, #tpu.memory_space<hbm>> -> memref<10000x128xf32, #tpu.memory_space<hbm>>
      tpu.wait_indirect_dma semaphore(%arg10 : memref<!tpu.dma_semaphore, #tpu.memory_space<semaphore_mem>>) src(%dma_wait3A_22 : memref<10000x128xf32, #tpu.memory_space<hbm>>) dst(%arg9 : memref<128x128xf32, #tpu.memory_space<vmem>>)
      "tpu.region"() ({
        %run_scoped3A = tpu.sem_alloc : memref<!tpu.dma_semaphore, #tpu.memory_space<semaphore_mem>>
        %dma_start3A_23 = arith.constant 0 : i32
        %dma_start3A_24 = tpu.memref_slice %arg8[%scan3A_12, %dma_start3A_23] : memref<79x128xi32, #tpu.memory_space<vmem>> -> memref<1x128xi32, #tpu.memory_space<vmem>>
        %dma_start3A_25 = tpu.memref_squeeze %dma_start3A_24 : memref<1x128xi32, #tpu.memory_space<vmem>> -> memref<128xi32, #tpu.memory_space<vmem>>
        %dma_start3A_26 = arith.constant 0 : i32
        %dma_start3A_27 = arith.constant 0 : i32
        %dma_start3A_28 = tpu.memref_slice %arg11[%dma_start3A_26, %dma_start3A_27] : memref<10112x128xf32, #tpu.memory_space<vmem_shared>> -> memref<10112x128xf32, #tpu.memory_space<vmem_shared>>
        tpu.enqueue_indirect_dma source(%arg9 : memref<128x128xf32, #tpu.memory_space<vmem>>) target(%dma_start3A_28 : memref<10112x128xf32, #tpu.memory_space<vmem_shared>>) offsets(%dma_start3A_25 : memref<128xi32, #tpu.memory_space<vmem>>) semaphore(%run_scoped3A : memref<!tpu.dma_semaphore, #tpu.memory_space<semaphore_mem>>) {add = true}
        %dma_wait3A_29 = arith.constant 0 : i32
        %dma_wait3A_30 = tpu.memref_slice %arg8[%scan3A_12, %dma_wait3A_29] : memref<79x128xi32, #tpu.memory_space<vmem>> -> memref<1x128xi32, #tpu.memory_space<vmem>>
        %dma_wait3A_31 = tpu.memref_squeeze %dma_wait3A_30 : memref<1x128xi32, #tpu.memory_space<vmem>> -> memref<128xi32, #tpu.memory_space<vmem>>
        %dma_wait3A_32 = arith.constant 0 : i32
        %dma_wait3A_33 = arith.constant 0 : i32
        %dma_wait3A_34 = tpu.memref_slice %arg11[%dma_wait3A_32, %dma_wait3A_33] : memref<10112x128xf32, #tpu.memory_space<vmem_shared>> -> memref<10112x128xf32, #tpu.memory_space<vmem_shared>>
        tpu.wait_indirect_dma semaphore(%run_scoped3A : memref<!tpu.dma_semaphore, #tpu.memory_space<semaphore_mem>>) src(%arg9 : memref<128x128xf32, #tpu.memory_space<vmem>>) dst(%dma_wait3A_34 : memref<10112x128xf32, #tpu.memory_space<vmem_shared>>)
        tpu.yield
      }) : () -> ()
    }
    %scan3A_10 = arith.constant 79 : i32
    %barrier3A_11 = arith.constant 0 : index
    tpu.barrier barrier_id(%barrier3A_11)
    "tpu.region"() ({
      %run_scoped3A = tpu.sem_alloc : memref<!tpu.dma_semaphore, #tpu.memory_space<semaphore_mem>>
      %dma_start3A = arith.constant 0 : i32
      %dma_start3A_12 = tpu.memref_slice %arg6[%arg0, %multiple_of3A_5, %dma_start3A] : memref<2x10112x128xf32, #tpu.memory_space<hbm>> -> memref<1x632x128xf32, #tpu.memory_space<hbm>>
      %dma_start3A_13 = tpu.memref_squeeze %dma_start3A_12 : memref<1x632x128xf32, #tpu.memory_space<hbm>> -> memref<632x128xf32, #tpu.memory_space<hbm>>
      %dma_start3A_14 = arith.constant 0 : i32
      %dma_start3A_15 = tpu.memref_slice %arg11[%multiple_of3A_5, %dma_start3A_14] : memref<10112x128xf32, #tpu.memory_space<vmem_shared>> -> memref<632x128xf32, #tpu.memory_space<vmem_shared>>
      tpu.enqueue_dma source(%dma_start3A_15 : memref<632x128xf32, #tpu.memory_space<vmem_shared>>) target(%dma_start3A_13 : memref<632x128xf32, #tpu.memory_space<hbm>>) target_semaphore(%run_scoped3A : memref<!tpu.dma_semaphore, #tpu.memory_space<semaphore_mem>>)
      %dma_wait3A = arith.constant 0 : i32
      %dma_wait3A_16 = tpu.memref_slice %arg6[%arg0, %multiple_of3A_5, %dma_wait3A] : memref<2x10112x128xf32, #tpu.memory_space<hbm>> -> memref<1x632x128xf32, #tpu.memory_space<hbm>>
      %dma_wait3A_17 = tpu.memref_squeeze %dma_wait3A_16 : memref<1x632x128xf32, #tpu.memory_space<hbm>> -> memref<632x128xf32, #tpu.memory_space<hbm>>
      %dma_wait3A_18 = arith.constant 0 : i32
      %dma_wait3A_19 = tpu.memref_slice %arg11[%multiple_of3A_5, %dma_wait3A_18] : memref<10112x128xf32, #tpu.memory_space<vmem_shared>> -> memref<632x128xf32, #tpu.memory_space<vmem_shared>>
      tpu.wait_dma2 semaphore(%run_scoped3A : memref<!tpu.dma_semaphore, #tpu.memory_space<semaphore_mem>>) src(%dma_wait3A_19 : memref<632x128xf32, #tpu.memory_space<vmem_shared>>) dst(%dma_wait3A_17 : memref<632x128xf32, #tpu.memory_space<hbm>>)
      tpu.yield
    }) : () -> ()
    return
  }
}

#map = affine_map<(d0, d1) -> (0, 0, 0)>
#map1 = affine_map<(d0, d1) -> (0, 0)>
module attributes {stable_mosaic.version = 14 : i64} {
  func.func @_deg_kernel(%arg0: i32, %arg1: i32, %arg2: memref<32x79x128xi32, #tpu.memory_space<hbm>>, %arg3: memref<80x128xf32, #tpu.memory_space<hbm>>, %arg4: memref<2x80x128xf32, #tpu.memory_space<hbm>>, %arg5: memref<79x128xi32, #tpu.memory_space<vmem>>, %arg6: memref<80x128xf32, #tpu.memory_space<vmem>>, %arg7: memref<80xi32, #tpu.memory_space<vmem>>, %arg8: memref<80x128xf32, #tpu.memory_space<vmem_shared>>) attributes {dimension_semantics = [#tpu.dimension_semantics<core_parallel>, #tpu.dimension_semantics<subcore_parallel>], iteration_bounds = array<i64: 2, 16>, scalar_prefetch = 0 : i64, scratch_operands = 4 : i64, tpu.core_type = #tpu.core_type<sc_vector_subcore>, window_params = [{transform_indices = #map}, {transform_indices = #map1}, {transform_indices = #map}]} {
    %mul3A = arith.constant 2 : i32
    %mul3A_0 = arith.muli %arg1, %mul3A : i32
    %add3A = arith.addi %mul3A_0, %arg0 : i32
    "tpu.region"() ({
      %run_scoped3A = tpu.sem_alloc : memref<!tpu.dma_semaphore, #tpu.memory_space<semaphore_mem>>
      tpu.enqueue_dma source(%arg3 : memref<80x128xf32, #tpu.memory_space<hbm>>) target(%arg6 : memref<80x128xf32, #tpu.memory_space<vmem>>) target_semaphore(%run_scoped3A : memref<!tpu.dma_semaphore, #tpu.memory_space<semaphore_mem>>)
      tpu.wait_dma2 semaphore(%run_scoped3A : memref<!tpu.dma_semaphore, #tpu.memory_space<semaphore_mem>>) src(%arg3 : memref<80x128xf32, #tpu.memory_space<hbm>>) dst(%arg6 : memref<80x128xf32, #tpu.memory_space<vmem>>)
      tpu.yield
    }) : () -> ()
    %eq3A = arith.constant 0 : i32
    %eq3A_1 = arith.cmpi eq, %arg1, %eq3A : i32
    %convert_element_type3A = arith.extui %eq3A_1 : i1 to i32
    %cond3A = arith.constant 0 : i32
    %cond3A_2 = arith.cmpi ne, %convert_element_type3A, %cond3A : i32
    scf.if %cond3A_2 {
      "tpu.region"() ({
        %run_scoped3A = tpu.sem_alloc : memref<!tpu.dma_semaphore, #tpu.memory_space<semaphore_mem>>
        tpu.enqueue_dma source(%arg3 : memref<80x128xf32, #tpu.memory_space<hbm>>) target(%arg8 : memref<80x128xf32, #tpu.memory_space<vmem_shared>>) target_semaphore(%run_scoped3A : memref<!tpu.dma_semaphore, #tpu.memory_space<semaphore_mem>>)
        tpu.wait_dma2 semaphore(%run_scoped3A : memref<!tpu.dma_semaphore, #tpu.memory_space<semaphore_mem>>) src(%arg3 : memref<80x128xf32, #tpu.memory_space<hbm>>) dst(%arg8 : memref<80x128xf32, #tpu.memory_space<vmem_shared>>)
        tpu.yield
      }) : () -> ()
    } else {
    }
    "tpu.region"() ({
      %run_scoped3A = tpu.sem_alloc : memref<!tpu.dma_semaphore, #tpu.memory_space<semaphore_mem>>
      %dma_start3A = arith.constant 0 : i32
      %dma_start3A_42 = arith.constant 0 : i32
      %dma_start3A_43 = tpu.memref_slice %arg2[%add3A, %dma_start3A, %dma_start3A_42] : memref<32x79x128xi32, #tpu.memory_space<hbm>> -> memref<1x79x128xi32, #tpu.memory_space<hbm>>
      %dma_start3A_44 = tpu.memref_squeeze %dma_start3A_43 : memref<1x79x128xi32, #tpu.memory_space<hbm>> -> memref<79x128xi32, #tpu.memory_space<hbm>>
      %dma_start3A_45 = arith.constant 0 : i32
      %dma_start3A_46 = arith.constant 0 : i32
      %dma_start3A_47 = tpu.memref_slice %arg2[%add3A, %dma_start3A_45, %dma_start3A_46] : memref<32x79x128xi32, #tpu.memory_space<hbm>> -> memref<1x79x128xi32, #tpu.memory_space<hbm>>
      %dma_start3A_48 = tpu.memref_squeeze %dma_start3A_47 : memref<1x79x128xi32, #tpu.memory_space<hbm>> -> memref<79x128xi32, #tpu.memory_space<hbm>>
      tpu.enqueue_dma source(%dma_start3A_48 : memref<79x128xi32, #tpu.memory_space<hbm>>) target(%arg5 : memref<79x128xi32, #tpu.memory_space<vmem>>) target_semaphore(%run_scoped3A : memref<!tpu.dma_semaphore, #tpu.memory_space<semaphore_mem>>)
      %dma_wait3A = arith.constant 0 : i32
      %dma_wait3A_49 = arith.constant 0 : i32
      %dma_wait3A_50 = tpu.memref_slice %arg2[%add3A, %dma_wait3A, %dma_wait3A_49] : memref<32x79x128xi32, #tpu.memory_space<hbm>> -> memref<1x79x128xi32, #tpu.memory_space<hbm>>
      %dma_wait3A_51 = tpu.memref_squeeze %dma_wait3A_50 : memref<1x79x128xi32, #tpu.memory_space<hbm>> -> memref<79x128xi32, #tpu.memory_space<hbm>>
      %dma_wait3A_52 = arith.constant 0 : i32
      %dma_wait3A_53 = arith.constant 0 : i32
      %dma_wait3A_54 = tpu.memref_slice %arg2[%add3A, %dma_wait3A_52, %dma_wait3A_53] : memref<32x79x128xi32, #tpu.memory_space<hbm>> -> memref<1x79x128xi32, #tpu.memory_space<hbm>>
      %dma_wait3A_55 = tpu.memref_squeeze %dma_wait3A_54 : memref<1x79x128xi32, #tpu.memory_space<hbm>> -> memref<79x128xi32, #tpu.memory_space<hbm>>
      tpu.wait_dma2 semaphore(%run_scoped3A : memref<!tpu.dma_semaphore, #tpu.memory_space<semaphore_mem>>) src(%dma_wait3A_55 : memref<79x128xi32, #tpu.memory_space<hbm>>) dst(%arg5 : memref<79x128xi32, #tpu.memory_space<vmem>>)
      tpu.yield
    }) : () -> ()
    %iota3A = tpu.iota {dimensions = array<i32: 0>} : vector<16xi32>
    %add3A_3 = arith.constant 0 : i32
    %add3A_4 = vector.broadcast %add3A_3 : i32 to vector<16xi32>
    %add3A_5 = arith.addi %iota3A, %add3A_4 : vector<16xi32>
    %swap3A = arith.constant 0 : index
    %swap3A_6 = tpu.vector_load %arg7[%swap3A] {strides = array<i32>} : memref<80xi32, #tpu.memory_space<vmem>>, vector<16xi32>,
    tpu.vector_store %arg7[%swap3A], %add3A_5 {strides = array<i32>} : memref<80xi32, #tpu.memory_space<vmem>>, vector<16xi32>,
    %iota3A_7 = tpu.iota {dimensions = array<i32: 0>} : vector<16xi32>
    %add3A_8 = arith.constant 16 : i32
    %add3A_9 = vector.broadcast %add3A_8 : i32 to vector<16xi32>
    %add3A_10 = arith.addi %iota3A_7, %add3A_9 : vector<16xi32>
    %swap3A_11 = arith.constant 16 : index
    %swap3A_12 = tpu.vector_load %arg7[%swap3A_11] {strides = array<i32>} : memref<80xi32, #tpu.memory_space<vmem>>, vector<16xi32>,
    tpu.vector_store %arg7[%swap3A_11], %add3A_10 {strides = array<i32>} : memref<80xi32, #tpu.memory_space<vmem>>, vector<16xi32>,
    %iota3A_13 = tpu.iota {dimensions = array<i32: 0>} : vector<16xi32>
    %add3A_14 = arith.constant 32 : i32
    %add3A_15 = vector.broadcast %add3A_14 : i32 to vector<16xi32>
    %add3A_16 = arith.addi %iota3A_13, %add3A_15 : vector<16xi32>
    %swap3A_17 = arith.constant 32 : index
    %swap3A_18 = tpu.vector_load %arg7[%swap3A_17] {strides = array<i32>} : memref<80xi32, #tpu.memory_space<vmem>>, vector<16xi32>,
    tpu.vector_store %arg7[%swap3A_17], %add3A_16 {strides = array<i32>} : memref<80xi32, #tpu.memory_space<vmem>>, vector<16xi32>,
    %iota3A_19 = tpu.iota {dimensions = array<i32: 0>} : vector<16xi32>
    %add3A_20 = arith.constant 48 : i32
    %add3A_21 = vector.broadcast %add3A_20 : i32 to vector<16xi32>
    %add3A_22 = arith.addi %iota3A_19, %add3A_21 : vector<16xi32>
    %swap3A_23 = arith.constant 48 : index
    %swap3A_24 = tpu.vector_load %arg7[%swap3A_23] {strides = array<i32>} : memref<80xi32, #tpu.memory_space<vmem>>, vector<16xi32>,
    tpu.vector_store %arg7[%swap3A_23], %add3A_22 {strides = array<i32>} : memref<80xi32, #tpu.memory_space<vmem>>, vector<16xi32>,
    %iota3A_25 = tpu.iota {dimensions = array<i32: 0>} : vector<16xi32>
    %add3A_26 = arith.constant 64 : i32
    %add3A_27 = vector.broadcast %add3A_26 : i32 to vector<16xi32>
    %add3A_28 = arith.addi %iota3A_25, %add3A_27 : vector<16xi32>
    %swap3A_29 = arith.constant 64 : index
    %swap3A_30 = tpu.vector_load %arg7[%swap3A_29] {strides = array<i32>} : memref<80xi32, #tpu.memory_space<vmem>>, vector<16xi32>,
    tpu.vector_store %arg7[%swap3A_29], %add3A_28 {strides = array<i32>} : memref<80xi32, #tpu.memory_space<vmem>>, vector<16xi32>,
    %barrier3A = arith.constant 0 : index
    tpu.barrier barrier_id(%barrier3A)
    %broadcast_in_dim3A = arith.constant 1.000000e+00 : f32
    %broadcast_in_dim3A_31 = vector.broadcast %broadcast_in_dim3A : f32 to vector<16xf32>
    %scan3A = arith.constant 0 : i32
    %scan3A_32 = arith.constant 0 : i32
    %scan3A_33 = arith.constant 79 : i32
    %scan3A_34 = arith.addi %scan3A_32, %scan3A_33 : i32
    %scan3A_35 = arith.constant 1 : i32
    scf.for %scan3A_42 = %scan3A_32 to %scan3A_34 step %scan3A_35  : i32 {
      %get3A = arith.index_cast %scan3A_42 : i32 to index
      %get3A_43 = arith.constant 0 : index
      %get3A_44 = tpu.vector_load %arg5[%get3A, %get3A_43] {strides = array<i32>} : memref<79x128xi32, #tpu.memory_space<vmem>>, vector<16xi32>,
      %shift_right_arithmetic3A = arith.constant 7 : i32
      %shift_right_arithmetic3A_45 = vector.broadcast %shift_right_arithmetic3A : i32 to vector<16xi32>
      %shift_right_arithmetic3A_46 = arith.shrsi %get3A_44, %shift_right_arithmetic3A_45 : vector<16xi32>
      %and3A = arith.constant 127 : i32
      %and3A_47 = vector.broadcast %and3A : i32 to vector<16xi32>
      %and3A_48 = arith.andi %get3A_44, %and3A_47 : vector<16xi32>
      tpu.vector_store_idx %arg6[%shift_right_arithmetic3A_46, %and3A_48], %broadcast_in_dim3A_31 {add = true} : memref<80x128xf32, #tpu.memory_space<vmem>>[vector<16xi32>, vector<16xi32>], vector<16xf32>,
      %get3A_49 = arith.index_cast %scan3A_42 : i32 to index
      %get3A_50 = arith.constant 16 : index
      %get3A_51 = tpu.vector_load %arg5[%get3A_49, %get3A_50] {strides = array<i32>} : memref<79x128xi32, #tpu.memory_space<vmem>>, vector<16xi32>,
      %shift_right_arithmetic3A_52 = arith.constant 7 : i32
      %shift_right_arithmetic3A_53 = vector.broadcast %shift_right_arithmetic3A_52 : i32 to vector<16xi32>
      %shift_right_arithmetic3A_54 = arith.shrsi %get3A_51, %shift_right_arithmetic3A_53 : vector<16xi32>
      %and3A_55 = arith.constant 127 : i32
      %and3A_56 = vector.broadcast %and3A_55 : i32 to vector<16xi32>
      %and3A_57 = arith.andi %get3A_51, %and3A_56 : vector<16xi32>
      tpu.vector_store_idx %arg6[%shift_right_arithmetic3A_54, %and3A_57], %broadcast_in_dim3A_31 {add = true} : memref<80x128xf32, #tpu.memory_space<vmem>>[vector<16xi32>, vector<16xi32>], vector<16xf32>,
      %get3A_58 = arith.index_cast %scan3A_42 : i32 to index
      %get3A_59 = arith.constant 32 : index
      %get3A_60 = tpu.vector_load %arg5[%get3A_58, %get3A_59] {strides = array<i32>} : memref<79x128xi32, #tpu.memory_space<vmem>>, vector<16xi32>,
      %shift_right_arithmetic3A_61 = arith.constant 7 : i32
      %shift_right_arithmetic3A_62 = vector.broadcast %shift_right_arithmetic3A_61 : i32 to vector<16xi32>
      %shift_right_arithmetic3A_63 = arith.shrsi %get3A_60, %shift_right_arithmetic3A_62 : vector<16xi32>
      %and3A_64 = arith.constant 127 : i32
      %and3A_65 = vector.broadcast %and3A_64 : i32 to vector<16xi32>
      %and3A_66 = arith.andi %get3A_60, %and3A_65 : vector<16xi32>
      tpu.vector_store_idx %arg6[%shift_right_arithmetic3A_63, %and3A_66], %broadcast_in_dim3A_31 {add = true} : memref<80x128xf32, #tpu.memory_space<vmem>>[vector<16xi32>, vector<16xi32>], vector<16xf32>,
      %get3A_67 = arith.index_cast %scan3A_42 : i32 to index
      %get3A_68 = arith.constant 48 : index
      %get3A_69 = tpu.vector_load %arg5[%get3A_67, %get3A_68] {strides = array<i32>} : memref<79x128xi32, #tpu.memory_space<vmem>>, vector<16xi32>,
      %shift_right_arithmetic3A_70 = arith.constant 7 : i32
      %shift_right_arithmetic3A_71 = vector.broadcast %shift_right_arithmetic3A_70 : i32 to vector<16xi32>
      %shift_right_arithmetic3A_72 = arith.shrsi %get3A_69, %shift_right_arithmetic3A_71 : vector<16xi32>
      %and3A_73 = arith.constant 127 : i32
      %and3A_74 = vector.broadcast %and3A_73 : i32 to vector<16xi32>
      %and3A_75 = arith.andi %get3A_69, %and3A_74 : vector<16xi32>
      tpu.vector_store_idx %arg6[%shift_right_arithmetic3A_72, %and3A_75], %broadcast_in_dim3A_31 {add = true} : memref<80x128xf32, #tpu.memory_space<vmem>>[vector<16xi32>, vector<16xi32>], vector<16xf32>,
      %get3A_76 = arith.index_cast %scan3A_42 : i32 to index
      %get3A_77 = arith.constant 64 : index
      %get3A_78 = tpu.vector_load %arg5[%get3A_76, %get3A_77] {strides = array<i32>} : memref<79x128xi32, #tpu.memory_space<vmem>>, vector<16xi32>,
      %shift_right_arithmetic3A_79 = arith.constant 7 : i32
      %shift_right_arithmetic3A_80 = vector.broadcast %shift_right_arithmetic3A_79 : i32 to vector<16xi32>
      %shift_right_arithmetic3A_81 = arith.shrsi %get3A_78, %shift_right_arithmetic3A_80 : vector<16xi32>
      %and3A_82 = arith.constant 127 : i32
      %and3A_83 = vector.broadcast %and3A_82 : i32 to vector<16xi32>
      %and3A_84 = arith.andi %get3A_78, %and3A_83 : vector<16xi32>
      tpu.vector_store_idx %arg6[%shift_right_arithmetic3A_81, %and3A_84], %broadcast_in_dim3A_31 {add = true} : memref<80x128xf32, #tpu.memory_space<vmem>>[vector<16xi32>, vector<16xi32>], vector<16xf32>,
      %get3A_85 = arith.index_cast %scan3A_42 : i32 to index
      %get3A_86 = arith.constant 80 : index
      %get3A_87 = tpu.vector_load %arg5[%get3A_85, %get3A_86] {strides = array<i32>} : memref<79x128xi32, #tpu.memory_space<vmem>>, vector<16xi32>,
      %shift_right_arithmetic3A_88 = arith.constant 7 : i32
      %shift_right_arithmetic3A_89 = vector.broadcast %shift_right_arithmetic3A_88 : i32 to vector<16xi32>
      %shift_right_arithmetic3A_90 = arith.shrsi %get3A_87, %shift_right_arithmetic3A_89 : vector<16xi32>
      %and3A_91 = arith.constant 127 : i32
      %and3A_92 = vector.broadcast %and3A_91 : i32 to vector<16xi32>
      %and3A_93 = arith.andi %get3A_87, %and3A_92 : vector<16xi32>
      tpu.vector_store_idx %arg6[%shift_right_arithmetic3A_90, %and3A_93], %broadcast_in_dim3A_31 {add = true} : memref<80x128xf32, #tpu.memory_space<vmem>>[vector<16xi32>, vector<16xi32>], vector<16xf32>,
      %get3A_94 = arith.index_cast %scan3A_42 : i32 to index
      %get3A_95 = arith.constant 96 : index
      %get3A_96 = tpu.vector_load %arg5[%get3A_94, %get3A_95] {strides = array<i32>} : memref<79x128xi32, #tpu.memory_space<vmem>>, vector<16xi32>,
      %shift_right_arithmetic3A_97 = arith.constant 7 : i32
      %shift_right_arithmetic3A_98 = vector.broadcast %shift_right_arithmetic3A_97 : i32 to vector<16xi32>
      %shift_right_arithmetic3A_99 = arith.shrsi %get3A_96, %shift_right_arithmetic3A_98 : vector<16xi32>
      %and3A_100 = arith.constant 127 : i32
      %and3A_101 = vector.broadcast %and3A_100 : i32 to vector<16xi32>
      %and3A_102 = arith.andi %get3A_96, %and3A_101 : vector<16xi32>
      tpu.vector_store_idx %arg6[%shift_right_arithmetic3A_99, %and3A_102], %broadcast_in_dim3A_31 {add = true} : memref<80x128xf32, #tpu.memory_space<vmem>>[vector<16xi32>, vector<16xi32>], vector<16xf32>,
      %get3A_103 = arith.index_cast %scan3A_42 : i32 to index
      %get3A_104 = arith.constant 112 : index
      %get3A_105 = tpu.vector_load %arg5[%get3A_103, %get3A_104] {strides = array<i32>} : memref<79x128xi32, #tpu.memory_space<vmem>>, vector<16xi32>,
      %shift_right_arithmetic3A_106 = arith.constant 7 : i32
      %shift_right_arithmetic3A_107 = vector.broadcast %shift_right_arithmetic3A_106 : i32 to vector<16xi32>
      %shift_right_arithmetic3A_108 = arith.shrsi %get3A_105, %shift_right_arithmetic3A_107 : vector<16xi32>
      %and3A_109 = arith.constant 127 : i32
      %and3A_110 = vector.broadcast %and3A_109 : i32 to vector<16xi32>
      %and3A_111 = arith.andi %get3A_105, %and3A_110 : vector<16xi32>
      tpu.vector_store_idx %arg6[%shift_right_arithmetic3A_108, %and3A_111], %broadcast_in_dim3A_31 {add = true} : memref<80x128xf32, #tpu.memory_space<vmem>>[vector<16xi32>, vector<16xi32>], vector<16xf32>,
    }
    %scan3A_36 = arith.constant 79 : i32
    "tpu.region"() ({
      %run_scoped3A = tpu.sem_alloc : memref<!tpu.dma_semaphore, #tpu.memory_space<semaphore_mem>>
      %dma_start3A = arith.constant 0 : i32
      %dma_start3A_42 = arith.constant 0 : i32
      %dma_start3A_43 = tpu.memref_slice %arg8[%dma_start3A, %dma_start3A_42] : memref<80x128xf32, #tpu.memory_space<vmem_shared>> -> memref<80x128xf32, #tpu.memory_space<vmem_shared>>
      tpu.enqueue_indirect_dma source(%arg6 : memref<80x128xf32, #tpu.memory_space<vmem>>) target(%dma_start3A_43 : memref<80x128xf32, #tpu.memory_space<vmem_shared>>) offsets(%arg7 : memref<80xi32, #tpu.memory_space<vmem>>) semaphore(%run_scoped3A : memref<!tpu.dma_semaphore, #tpu.memory_space<semaphore_mem>>) {add = true}
      %dma_wait3A = arith.constant 0 : i32
      %dma_wait3A_44 = arith.constant 0 : i32
      %dma_wait3A_45 = tpu.memref_slice %arg8[%dma_wait3A, %dma_wait3A_44] : memref<80x128xf32, #tpu.memory_space<vmem_shared>> -> memref<80x128xf32, #tpu.memory_space<vmem_shared>>
      tpu.wait_indirect_dma semaphore(%run_scoped3A : memref<!tpu.dma_semaphore, #tpu.memory_space<semaphore_mem>>) src(%arg6 : memref<80x128xf32, #tpu.memory_space<vmem>>) dst(%dma_wait3A_45 : memref<80x128xf32, #tpu.memory_space<vmem_shared>>)
      tpu.yield
    }) : () -> ()
    %barrier3A_37 = arith.constant 0 : index
    tpu.barrier barrier_id(%barrier3A_37)
    %lt3A = arith.constant 10 : i32
    %lt3A_38 = arith.cmpi slt, %arg1, %lt3A : i32
    %convert_element_type3A_39 = arith.extui %lt3A_38 : i1 to i32
    %cond3A_40 = arith.constant 0 : i32
    %cond3A_41 = arith.cmpi ne, %convert_element_type3A_39, %cond3A_40 : i32
    scf.if %cond3A_41 {
      %mul3A_42 = arith.constant 8 : i32
      %mul3A_43 = arith.muli %arg1, %mul3A_42 : i32
      %multiple_of3A = tpu.assume_multiple %mul3A_43, 8 : i32
      "tpu.region"() ({
        %run_scoped3A = tpu.sem_alloc : memref<!tpu.dma_semaphore, #tpu.memory_space<semaphore_mem>>
        %dma_start3A = arith.constant 0 : i32
        %dma_start3A_44 = tpu.memref_slice %arg4[%arg0, %multiple_of3A, %dma_start3A] : memref<2x80x128xf32, #tpu.memory_space<hbm>> -> memref<1x8x128xf32, #tpu.memory_space<hbm>>
        %dma_start3A_45 = tpu.memref_squeeze %dma_start3A_44 : memref<1x8x128xf32, #tpu.memory_space<hbm>> -> memref<8x128xf32, #tpu.memory_space<hbm>>
        %dma_start3A_46 = arith.constant 0 : i32
        %dma_start3A_47 = tpu.memref_slice %arg8[%multiple_of3A, %dma_start3A_46] : memref<80x128xf32, #tpu.memory_space<vmem_shared>> -> memref<8x128xf32, #tpu.memory_space<vmem_shared>>
        tpu.enqueue_dma source(%dma_start3A_47 : memref<8x128xf32, #tpu.memory_space<vmem_shared>>) target(%dma_start3A_45 : memref<8x128xf32, #tpu.memory_space<hbm>>) target_semaphore(%run_scoped3A : memref<!tpu.dma_semaphore, #tpu.memory_space<semaphore_mem>>)
        %dma_wait3A = arith.constant 0 : i32
        %dma_wait3A_48 = tpu.memref_slice %arg4[%arg0, %multiple_of3A, %dma_wait3A] : memref<2x80x128xf32, #tpu.memory_space<hbm>> -> memref<1x8x128xf32, #tpu.memory_space<hbm>>
        %dma_wait3A_49 = tpu.memref_squeeze %dma_wait3A_48 : memref<1x8x128xf32, #tpu.memory_space<hbm>> -> memref<8x128xf32, #tpu.memory_space<hbm>>
        %dma_wait3A_50 = arith.constant 0 : i32
        %dma_wait3A_51 = tpu.memref_slice %arg8[%multiple_of3A, %dma_wait3A_50] : memref<80x128xf32, #tpu.memory_space<vmem_shared>> -> memref<8x128xf32, #tpu.memory_space<vmem_shared>>
        tpu.wait_dma2 semaphore(%run_scoped3A : memref<!tpu.dma_semaphore, #tpu.memory_space<semaphore_mem>>) src(%dma_wait3A_51 : memref<8x128xf32, #tpu.memory_space<vmem_shared>>) dst(%dma_wait3A_49 : memref<8x128xf32, #tpu.memory_space<hbm>>)
        tpu.yield
      }) : () -> ()
    } else {
    }
    return
  }
}

module attributes {stable_mosaic.version = 14 : i64} {
  func.func @_matmul_body(%arg0: i32, %arg1: memref<1000x128xf32, #tpu.memory_space<vmem>>, %arg2: memref<128x128xf32, #tpu.memory_space<vmem>>, %arg3: memref<1000x128xf32, #tpu.memory_space<vmem>>) attributes {dimension_semantics = [#tpu.dimension_semantics<arbitrary>], iteration_bounds = array<i64: 10>, scalar_prefetch = 0 : i64, scratch_operands = 0 : i64, tpu.core_type = #tpu.core_type<tc>, window_params = [{transform_indices = @transform_0, window_bounds = array<i64: 1000, 128>}, {pipeline_mode = #tpu.pipeline_mode<synchronous>, transform_indices = @transform_1, window_bounds = array<i64: 128, 128>}, {transform_indices = @transform_2, window_bounds = array<i64: 1000, 128>}]} {
    %get3A = arith.constant 0 : index
    %get3A_0 = arith.constant 0 : index
    %get3A_1 = vector.load %arg1[%get3A, %get3A_0] : memref<1000x128xf32, #tpu.memory_space<vmem>>, vector<1000x128xf32>
    %get3A_2 = arith.constant 0 : index
    %get3A_3 = arith.constant 0 : index
    %get3A_4 = vector.load %arg2[%get3A_2, %get3A_3] : memref<128x128xf32, #tpu.memory_space<vmem>>, vector<128x128xf32>
    %dot_general3A = arith.constant dense<0.000000e+00> : vector<1000x128xf32>
    %dot_general3A_5 = tpu.matmul %get3A_1, %get3A_4, %dot_general3A {dimension_numbers = #tpu.dot_dimension_numbers<[1], [0], [0], [1], [0, 0, 1, 1], [], []>, transpose_lhs_hint = false} : vector<1000x128xf32>, vector<128x128xf32>, vector<1000x128xf32> -> vector<1000x128xf32>
    %swap3A = arith.constant 0 : index
    %swap3A_6 = arith.constant 0 : index
    %swap3A_7 = vector.load %arg3[%swap3A, %swap3A_6] : memref<1000x128xf32, #tpu.memory_space<vmem>>, vector<1000x128xf32>
    tpu.vector_store %arg3[%swap3A, %swap3A_6], %dot_general3A_5 {strides = array<i32>} : memref<1000x128xf32, #tpu.memory_space<vmem>>, vector<1000x128xf32>,
    return
  }
  func.func @transform_0(%arg0: i32) -> (i32, i32) {
    %c0_i32 = arith.constant 0 : i32
    %c0_i32_0 = arith.constant 0 : i32
    return %arg0, %c0_i32 : i32, i32
  }
  func.func @transform_1(%arg0: i32) -> (i32, i32) {
    %c0_i32 = arith.constant 0 : i32
    %c0_i32_0 = arith.constant 0 : i32
    %c0_i32_1 = arith.constant 0 : i32
    return %c0_i32, %c0_i32_0 : i32, i32
  }
  func.func @transform_2(%arg0: i32) -> (i32, i32) {
    %c0_i32 = arith.constant 0 : i32
    %c0_i32_0 = arith.constant 0 : i32
    return %arg0, %c0_i32 : i32, i32
  }
}

module attributes {stable_mosaic.version = 14 : i64} {
  func.func @_scale_body(%arg0: i32, %arg1: memref<2x1000x1xf32, #tpu.memory_space<vmem>>, %arg2: memref<1000x128xf32, #tpu.memory_space<vmem>>, %arg3: memref<1000x128xf32, #tpu.memory_space<vmem>>) attributes {dimension_semantics = [#tpu.dimension_semantics<arbitrary>], iteration_bounds = array<i64: 10>, scalar_prefetch = 0 : i64, scratch_operands = 0 : i64, tpu.core_type = #tpu.core_type<tc>, window_params = [{transform_indices = @transform_0, window_bounds = array<i64: 2, 1000, 1>}, {transform_indices = @transform_1, window_bounds = array<i64: 1000, 128>}, {transform_indices = @transform_2, window_bounds = array<i64: 1000, 128>}]} {
    %get3A = arith.constant 0 : index
    %get3A_0 = arith.constant 0 : index
    %get3A_1 = arith.constant 0 : index
    %get3A_2 = vector.load %arg1[%get3A, %get3A_0, %get3A_1] : memref<2x1000x1xf32, #tpu.memory_space<vmem>>, vector<1x1000x1xf32>
    %get3A_3 = vector.shape_cast %get3A_2 : vector<1x1000x1xf32> to vector<1000x1xf32>
    %get3A_4 = arith.constant 1 : index
    %get3A_5 = arith.constant 0 : index
    %get3A_6 = arith.constant 0 : index
    %get3A_7 = vector.load %arg1[%get3A_4, %get3A_5, %get3A_6] : memref<2x1000x1xf32, #tpu.memory_space<vmem>>, vector<1x1000x1xf32>
    %get3A_8 = vector.shape_cast %get3A_7 : vector<1x1000x1xf32> to vector<1000x1xf32>
    %add3A = arith.addf %get3A_3, %get3A_8 : vector<1000x1xf32>
    %add3A_9 = arith.constant 1.000000e+00 : f32
    %add3A_10 = vector.broadcast %add3A_9 : f32 to vector<1000x1xf32>
    %add3A_11 = arith.addf %add3A, %add3A_10 : vector<1000x1xf32>
    %rsqrt3A = math.rsqrt %add3A_11 : vector<1000x1xf32>
    %get3A_12 = arith.constant 0 : index
    %get3A_13 = arith.constant 0 : index
    %get3A_14 = vector.load %arg2[%get3A_12, %get3A_13] : memref<1000x128xf32, #tpu.memory_space<vmem>>, vector<1000x128xf32>
    %mul3A = vector.broadcast %rsqrt3A : vector<1000x1xf32> to vector<1000x128xf32>
    %mul3A_15 = arith.mulf %mul3A, %get3A_14 : vector<1000x128xf32>
    %swap3A = arith.constant 0 : index
    %swap3A_16 = arith.constant 0 : index
    %swap3A_17 = vector.load %arg3[%swap3A, %swap3A_16] : memref<1000x128xf32, #tpu.memory_space<vmem>>, vector<1000x128xf32>
    tpu.vector_store %arg3[%swap3A, %swap3A_16], %mul3A_15 {strides = array<i32>} : memref<1000x128xf32, #tpu.memory_space<vmem>>, vector<1000x128xf32>,
    return
  }
  func.func @transform_0(%arg0: i32) -> (i32, i32, i32) {
    %c0_i32 = arith.constant 0 : i32
    %c0_i32_0 = arith.constant 0 : i32
    %c0_i32_1 = arith.constant 0 : i32
    return %c0_i32, %arg0, %c0_i32_0 : i32, i32, i32
  }
  func.func @transform_1(%arg0: i32) -> (i32, i32) {
    %c0_i32 = arith.constant 0 : i32
    %c0_i32_0 = arith.constant 0 : i32
    return %arg0, %c0_i32 : i32, i32
  }
  func.func @transform_2(%arg0: i32) -> (i32, i32) {
    %c0_i32 = arith.constant 0 : i32
    %c0_i32_0 = arith.constant 0 : i32
    return %arg0, %c0_i32 : i32, i32
  }
}

module attributes {stable_mosaic.version = 14 : i64} {
  func.func @_combine_body(%arg0: i32, %arg1: memref<2x1000x128xf32, #tpu.memory_space<vmem>>, %arg2: memref<1000x128xf32, #tpu.memory_space<vmem>>, %arg3: memref<2x1000x1xf32, #tpu.memory_space<vmem>>, %arg4: memref<1x128xf32, #tpu.memory_space<vmem>>, %arg5: memref<1000x128xf32, #tpu.memory_space<vmem>>) attributes {dimension_semantics = [#tpu.dimension_semantics<arbitrary>], iteration_bounds = array<i64: 10>, scalar_prefetch = 0 : i64, scratch_operands = 0 : i64, tpu.core_type = #tpu.core_type<tc>, window_params = [{transform_indices = @transform_0, window_bounds = array<i64: 2, 1000, 128>}, {transform_indices = @transform_1, window_bounds = array<i64: 1000, 128>}, {transform_indices = @transform_2, window_bounds = array<i64: 2, 1000, 1>}, {pipeline_mode = #tpu.pipeline_mode<synchronous>, transform_indices = @transform_3, window_bounds = array<i64: 1, 128>}, {transform_indices = @transform_4, window_bounds = array<i64: 1000, 128>}]} {
    %get3A = arith.constant 0 : index
    %get3A_0 = arith.constant 0 : index
    %get3A_1 = arith.constant 0 : index
    %get3A_2 = vector.load %arg3[%get3A, %get3A_0, %get3A_1] : memref<2x1000x1xf32, #tpu.memory_space<vmem>>, vector<1x1000x1xf32>
    %get3A_3 = vector.shape_cast %get3A_2 : vector<1x1000x1xf32> to vector<1000x1xf32>
    %get3A_4 = arith.constant 1 : index
    %get3A_5 = arith.constant 0 : index
    %get3A_6 = arith.constant 0 : index
    %get3A_7 = vector.load %arg3[%get3A_4, %get3A_5, %get3A_6] : memref<2x1000x1xf32, #tpu.memory_space<vmem>>, vector<1x1000x1xf32>
    %get3A_8 = vector.shape_cast %get3A_7 : vector<1x1000x1xf32> to vector<1000x1xf32>
    %add3A = arith.addf %get3A_3, %get3A_8 : vector<1000x1xf32>
    %add3A_9 = arith.constant 1.000000e+00 : f32
    %add3A_10 = vector.broadcast %add3A_9 : f32 to vector<1000x1xf32>
    %add3A_11 = arith.addf %add3A, %add3A_10 : vector<1000x1xf32>
    %get3A_12 = arith.constant 0 : index
    %get3A_13 = arith.constant 0 : index
    %get3A_14 = arith.constant 0 : index
    %get3A_15 = vector.load %arg1[%get3A_12, %get3A_13, %get3A_14] : memref<2x1000x128xf32, #tpu.memory_space<vmem>>, vector<1x1000x128xf32>
    %get3A_16 = vector.shape_cast %get3A_15 : vector<1x1000x128xf32> to vector<1000x128xf32>
    %get3A_17 = arith.constant 1 : index
    %get3A_18 = arith.constant 0 : index
    %get3A_19 = arith.constant 0 : index
    %get3A_20 = vector.load %arg1[%get3A_17, %get3A_18, %get3A_19] : memref<2x1000x128xf32, #tpu.memory_space<vmem>>, vector<1x1000x128xf32>
    %get3A_21 = vector.shape_cast %get3A_20 : vector<1x1000x128xf32> to vector<1000x128xf32>
    %add3A_22 = arith.addf %get3A_16, %get3A_21 : vector<1000x128xf32>
    %get3A_23 = arith.constant 0 : index
    %get3A_24 = arith.constant 0 : index
    %get3A_25 = vector.load %arg2[%get3A_23, %get3A_24] : memref<1000x128xf32, #tpu.memory_space<vmem>>, vector<1000x128xf32>
    %add3A_26 = arith.addf %add3A_22, %get3A_25 : vector<1000x128xf32>
    %rsqrt3A = math.rsqrt %add3A_11 : vector<1000x1xf32>
    %mul3A = vector.broadcast %rsqrt3A : vector<1000x1xf32> to vector<1000x128xf32>
    %mul3A_27 = arith.mulf %mul3A, %add3A_26 : vector<1000x128xf32>
    %get3A_28 = arith.constant 0 : index
    %get3A_29 = arith.constant 0 : index
    %get3A_30 = vector.load %arg4[%get3A_28, %get3A_29] : memref<1x128xf32, #tpu.memory_space<vmem>>, vector<1x128xf32>
    %add3A_31 = vector.broadcast %get3A_30 : vector<1x128xf32> to vector<1000x128xf32>
    %add3A_32 = arith.addf %mul3A_27, %add3A_31 : vector<1000x128xf32>
    %swap3A = arith.constant 0 : index
    %swap3A_33 = arith.constant 0 : index
    %swap3A_34 = vector.load %arg5[%swap3A, %swap3A_33] : memref<1000x128xf32, #tpu.memory_space<vmem>>, vector<1000x128xf32>
    tpu.vector_store %arg5[%swap3A, %swap3A_33], %add3A_32 {strides = array<i32>} : memref<1000x128xf32, #tpu.memory_space<vmem>>, vector<1000x128xf32>,
    return
  }
  func.func @transform_0(%arg0: i32) -> (i32, i32, i32) {
    %c0_i32 = arith.constant 0 : i32
    %c0_i32_0 = arith.constant 0 : i32
    %c0_i32_1 = arith.constant 0 : i32
    return %c0_i32, %arg0, %c0_i32_0 : i32, i32, i32
  }
  func.func @transform_1(%arg0: i32) -> (i32, i32) {
    %c0_i32 = arith.constant 0 : i32
    %c0_i32_0 = arith.constant 0 : i32
    return %arg0, %c0_i32 : i32, i32
  }
  func.func @transform_2(%arg0: i32) -> (i32, i32, i32) {
    %c0_i32 = arith.constant 0 : i32
    %c0_i32_0 = arith.constant 0 : i32
    %c0_i32_1 = arith.constant 0 : i32
    return %c0_i32, %arg0, %c0_i32_0 : i32, i32, i32
  }
  func.func @transform_3(%arg0: i32) -> (i32, i32) {
    %c0_i32 = arith.constant 0 : i32
    %c0_i32_0 = arith.constant 0 : i32
    %c0_i32_1 = arith.constant 0 : i32
    return %c0_i32, %c0_i32_0 : i32, i32
  }
  func.func @transform_4(%arg0: i32) -> (i32, i32) {
    %c0_i32 = arith.constant 0 : i32
    %c0_i32_0 = arith.constant 0 : i32
    return %arg0, %c0_i32 : i32, i32
  }
}

</mosaic_0001>

<sc_bundles>
// kernel: kernel.10.cloned.1.call-start
scs
__scs_entry_jumppad:
0x0: {  	(pc) =	sbr.rel $0x88, $3  }
0x1: {  	(tag) =	ssettag $0x0;
	lr =	simm.s32 $0x1  }
0x2: {  	[smem:$0x3F9D] =	sst lr;
	_ =	strace $0xD0000000  }
0x3: {  	_ = 	snop  }
0x4: {  	_ = 	snop  }
0x5: {  	_ = 	snop  }
0x6: {  	_ = 	snop  }
0x7: {  	_ = 	snop  }
__scs_overlays_trampoline_lowered:
0x8: {  	[smem:$0x3FAC] =	sst s0  }
0x9: {  	[smem:$0x3FAD] =	sst s1  }
0xa: {  	[smem:$0x3FAE] =	sst s2  }
0xb: {  	[smem:$0x3FAF] =	sst s3  }
0xc: {  	[smem:$0x3FB0] =	sst s4  }
0xd: {  	[smem:$0x3FB1] =	sst s5  }
0xe: {  	[smem:$0x3FB2] =	sst s6  }
0xf: {  	[smem:$0x3FB3] =	sst s7  }
0x10: {  	[smem:$0x3FB4] =	sst s8  }
0x11: {  	[smem:$0x3FB5] =	sst s9;
	s0 =	simm.s32 @!p0 $0x0  }
0x12: {  	s1 =	sld [smem:$0x3F9B];
	s0 =	simm.s32 @p0 $0x1  }
0x13: {  	[smem:$0x3FB6] =	sst s0;
	s0 =	simm.s32 @!p1 $0x0  }
0x14: {  	s2 =	sld [smem:$0x3F9A];
	s0 =	simm.s32 @p1 $0x1  }
0x15: {  	[smem:$0x3FB7] =	sst s0;
	s0 =	simm.s32 @!p2 $0x0  }
0x16: {  	s3 =	sld [smem:$0x3FDB];
	s0 =	simm.s32 @p2 $0x1  }
0x17: {  	s4 =	simm.s32 $0x1BF5;
	[smem:$0x3FB9] =	sst s0  }
0x18: {  	s0 =	sld [smem:$0x3F9C];
	_ =	swait.ge [sflag:s4], $0x0  }
0x19: {  	s7 =	sld [smem:$0x3F9D]  }
0x1a: {  	s8 =	sadd.s32 $0xFFFFE003, lr  }
0x1b: {  	s9 =	sadd.s32 $0xFFFFFEF7, lr;
	s5 =	simm.s32 $0xFFFFFFFF;
	p2 =	slt.u32 s8, $0xFFFFF086  }
0x1c: {  	p1 =	slt.u32 s9, $0xF7A;
	s5 =	simm.s32 @!p2 $0x0  }
0x1d: {  	s5 =	simm.s32 @p1 $0x1;
	p0 =	seq.s32 s7, s2  }
0x1e: {  	s7 =	smul.u32 @!p0 $0xF7A, s2;
	p2 =	seq.s32 @!p0 s5, $0x0  }
0x1f: {  	s9 =	smul.u32 $0xF7A, s1;
	s8 =	simm.s32 @!p0 $0x1BF5;
	p2 =	por !p2, p0  }
0x20: {  	[sflag:s8] =	ssyncset.s32 @!p0 $0xFFFFF086;
	s6 =	sadd.s32 @!p0 s3, s7;
	s7 =	simm.s32 @!p0 $0x108  }
0x21: {  	s3 =	sadd.s32 s3, s9;
	s6 =	sadd.s32 @!p0 $0x88, s6;
	s7 =	simm.s32 @p2 $0x1082  }
0x22: {  	[simem:s7], [sflag:s8] =	dma.local @!p0 [hbm:s6], $0xF7A  }
0x23: {  	s9 =	sor.u32 $0xD0000000, s2;
	s6 =	simm.s32 $0x108;
	_ =	swait.ge @!p0 [sflag:s8], $0x0  }
0x24: {  	s3 =	sadd.s32 $0x88, s3;
	s6 =	simm.s32 @!p1 $0x1082;
	[sflag:s4] =	ssyncset.s32 $0xFFFFF086  }
0x25: {  	[simem:s6], [sflag:s4] =	dma.local [hbm:s3], $0xF7A  }
0x26: {  	[smem:$0x3F9D] =	sst s1;
	(tag) =	ssettag s2;
	_ =	strace s9  }
0x27: {  	s1 =	sld [smem:$0x3FAD]  }
0x28: {  	s2 =	sld [smem:$0x3FAE]  }
0x29: {  	s4 =	sld [smem:$0x3FB0]  }
0x2a: {  	p0 =	seq.s32 s5, $0x0;
	s5 =	sld [smem:$0x3FB1]  }
0x2b: {  	s6 =	sld [smem:$0x3FB2]  }
0x2c: {  	s7 =	sld [smem:$0x3FB3]  }
0x2d: {  	s3 =	simm.s32 $0x108;
	s8 =	sld [smem:$0x3FB4]  }
0x2e: {  	s3 =	simm.s32 @!p0 $0x1082;
	s9 =	sld [smem:$0x3FB5]  }
0x2f: {  	lr =	sadd.s32 s0, s3;
	s0 =	sld [smem:$0x3FAC]  }
0x30: {  	s3 =	sld [smem:$0x3FAF]  }
0x31: {  	[smem:$0x3FB8] =	sst s10  }
0x32: {  	s10 =	sld [smem:$0x3FB6];
	_ =	sdelay $0x3  }
0x33: {  	p0 =	seq.s32 s10, $0x1;
	s10 =	sld [smem:$0x3FB8];
	_ =	sdelay $0x3  }
0x34: {  	[smem:$0x3FB8] =	sst s10  }
0x35: {  	s10 =	sld [smem:$0x3FB7];
	_ =	sdelay $0x3  }
0x36: {  	p1 =	seq.s32 s10, $0x1;
	s10 =	sld [smem:$0x3FB8];
	_ =	sdelay $0x3  }
0x37: {  	[smem:$0x3FB8] =	sst s10  }
0x38: {  	s10 =	sld [smem:$0x3FB9]  }
0x39: {  	_ = 	snop;
	(pc) =	sbr.ind lr, $3  }
0x3a: {  	_ = 	snop  }
0x3b: {  	_ = 	snop  }
0x3c: {  	p2 =	seq.s32 s10, $0x1;
	s10 =	sld [smem:$0x3FB8]  }
0x3d: {  	_ =	shalt  }
0x3e: {  	_ =	shalt  }
0x3f: {  	_ =	shalt  }
0x40: {  	_ =	shalt  }
0x41: {  	_ =	shalt  }
0x42: {  	_ =	shalt  }
0x43: {  	_ =	shalt  }
0x44: {  	_ =	shalt  }
0x45: {  	_ =	shalt  }
0x46: {  	_ =	shalt  }
0x47: {  	_ =	shalt  }
0x48: {  	_ =	shalt  }
0x49: {  	_ =	shalt  }
0x4a: {  	_ =	shalt  }
0x4b: {  	_ =	shalt  }
0x4c: {  	_ =	shalt  }
0x4d: {  	_ =	shalt  }
0x4e: {  	_ =	shalt  }
0x4f: {  	_ =	shalt  }
0x50: {  	_ =	shalt  }
0x51: {  	_ =	shalt  }
0x52: {  	_ =	shalt  }
0x53: {  	_ =	shalt  }
0x54: {  	_ =	shalt  }
0x55: {  	_ =	shalt  }
0x56: {  	_ =	shalt  }
0x57: {  	_ =	shalt  }
0x58: {  	_ =	shalt  }
0x59: {  	_ =	shalt  }
0x5a: {  	_ =	shalt  }
0x5b: {  	_ =	shalt  }
0x5c: {  	_ =	shalt  }
0x5d: {  	_ =	shalt  }
0x5e: {  	_ =	shalt  }
0x5f: {  	_ =	shalt  }
0x60: {  	_ =	shalt  }
0x61: {  	_ =	shalt  }
0x62: {  	_ =	shalt  }
0x63: {  	_ =	shalt  }
0x64: {  	_ =	shalt  }
0x65: {  	_ =	shalt  }
0x66: {  	_ =	shalt  }
0x67: {  	_ =	shalt  }
0x68: {  	_ =	shalt  }
0x69: {  	_ =	shalt  }
0x6a: {  	_ =	shalt  }
0x6b: {  	_ =	shalt  }
0x6c: {  	_ =	shalt  }
0x6d: {  	_ =	shalt  }
0x6e: {  	_ =	shalt  }
0x6f: {  	_ =	shalt  }
0x70: {  	_ =	shalt  }
0x71: {  	_ =	shalt  }
0x72: {  	_ =	shalt  }
0x73: {  	_ =	shalt  }
0x74: {  	_ =	shalt  }
0x75: {  	_ =	shalt  }
0x76: {  	_ =	shalt  }
0x77: {  	_ =	shalt  }
0x78: {  	_ =	shalt  }
0x79: {  	_ =	shalt  }
0x7a: {  	_ =	shalt  }
0x7b: {  	_ =	shalt  }
0x7c: {  	_ =	shalt  }
0x7d: {  	_ =	shalt  }
0x7e: {  	_ =	shalt  }
0x7f: {  	_ =	shalt  }
0x80: {  	_ =	shalt  }
0x81: {  	_ =	shalt  }
0x82: {  	_ =	shalt  }
0x83: {  	_ =	shalt  }
0x84: {  	_ =	shalt  }
0x85: {  	_ =	shalt  }
0x86: {  	_ =	shalt  }
0x87: {  	_ =	shalt  }
.Lfunc_end0:
.L_simem_size_0:
called_computation.1_lowered:
.L_overlay_start_0:
0x88: {  	s2 =	sld [smem:$0x3FD9]  }
0x89: {  	s3 =	sld [smem:$0x3FFE];
	_ =	sdelay $0x1  }
0x8a: {  	s1 =	srdreg.scid  }
0x8b: {  	s0 =	sand.u32 $0x1, s1  }
0x8c: {  	s17 =	sshll.u32 s0, $0xA;
	s2 =	sadd.s32 s3, s2  }
0x8d: {  	s2 =	sadd.s32 s2, s17  }
0x8e: {  	[smem:$0x3FC4] =	sst s2  }
0x8f: {  	_ = 	snop  }
0x90: {  	s2 =	sld [smem:$0x3FD0];
	(tm) =	ssettm $0x1  }
0x91: {  	s18 =	sld [smem:$0x3FFB];
	_ =	sdelay $0x3  }
0x92: {  	_ =	strace s18  }
0x93: {  	s3 =	sld [smem:$0x3FFC];
	_ =	sdelay $0x3  }
0x94: {  	_ =	strace s3  }
0x95: {  	s3 =	sld [smem:$0x3FFD];
	_ =	sdelay $0x3  }
0x96: {  	_ =	strace s3  }
0x97: {  	_ =	strace $0x8FFFFFFF  }
0x98: {  	s19 =	sld [smem:$0x3FDB];
	_ =	sdelay $0x1  }
0x99: {  	s4 =	simm.s32 $_scs_section_size  }
0x9a: {  	s5 =	simm.s32 $_size__tile_overlayer_lowered;
	s6 =	simm.s32 $_tile_overlayer_lowered  }
0x9b: {  	s22 =	simm.s32 $0x1BFF;
	s21 =	sshll.u32 s6, $0x1;
	s3 =	sadd.s32 s4, s19  }
0x9c: {  	s7 =	simm.s32 $0x0;
	s20 =	sshll.u32 s5, $0x1;
	s5 =	sadd.s32 s21, s3  }
0x9d: {  	[timem:s7], [sflag:s22] =	dma.local [hbm:s5], s20  }
0x9e: {  	_ =	swait.ge [sflag:s22], s20  }
0x9f: {  	s4 =	ssub.s32 $0x0, s20;
	[sflag:s22] =	ssyncset.done $0x0  }
0xa0: {  	[sflag:s22] =	ssyncadd.s32 s4;
	_ =	sdelay $0x1  }
0xa1: {  	s23 =	simm.s32 $0x1B8B  }
0xa2: {  	_ =	swait.ge [sflag:s23], $0x1  }
0xa3: {  	[sflag:s23] =	ssyncset.done $0x0  }
0xa4: {  	s25 =	simm.s32 $0x1B8E;
	s24 =	sld [smem:$0x3FFE];
	[sflag:s23] =	ssyncadd.s32 $0xFFFFFFFF  }
0xa5: {  	s26 =	simm.s32 $execute0_lowered;
	[smem:$0x3FD2] =	sst s25  }
0xa6: {  	s5 =	sshll.u32 s26, $0x1;
	_ =	strace $0x80000049;
	[dreg:$0x1] =	wrdreg $0xFFFFFFFF  }
0xa7: {  	s28 =	simm.s32 $_size_execute0_lowered;
	s3 =	sadd.s32 s3, s5;
	[dreg:$0x0] =	wrdreg $0x0  }
0xa8: {  	s5 =	sshll.u32 s28, $0x1;
	[dreg:$0x2] =	wrdreg s3  }
0xa9: {  	[dreg:$0x3] =	wrdreg s5  }
0xaa: {  	[dreg:$0x4] =	wrdreg $0xC0  }
0xab: {  	_ =	task [dreg:s7], $0x5FFFF  }
0xac: {  	[dreg:$0x1] =	wrdreg $0xFFFFFFFF  }
0xad: {  	[dreg:$0x0] =	wrdreg $0x60  }
0xae: {  	[dreg:$0x2] =	wrdreg s2  }
0xaf: {  	[dreg:$0x3] =	wrdreg s24  }
0xb0: {  	[dreg:$0x4] =	wrdreg $0x90000  }
0xb1: {  	[dreg:$0x5] =	wrdreg $0x9  }
0xb2: {  	_ =	task.clear_ibuf [dreg:s7], $0x6FFFF;
	_ =	strace $0x90000049  }
0xb3: {  	s29 =	simm.s32 $0x9;
	_ =	strace $0x8000004B  }
0xb4: {  	_ =	swait.ge [sflag:s29], $0x1  }
0xb5: {  	[sflag:s29] =	ssyncadd.s32 $0xFFFFFFFF  }
0xb6: {  	_ =	strace $0x9000004B  }
0xb7: {  	_ =	sfence  }
0xb8: {  	s30 =	sld [smem:$0x0];
	_ =	sdelay $0x2  }
0xb9: {  	s31 =	sshll.u32 s1, $0xD;
	s1 =	sshrl.u32 s1, $0x2  }
0xba: {  	s3 =	sand.u32 $0x4000, s31;
	s1 =	sadd.s32 s1, s30  }
0xbb: {  	s0 =	sor.u32 s3, s0;
	s1 =	sshll.u32 s1, $0x11  }
0xbc: {  	s0 =	sor.u32 s1, s0  }
0xbd: {  	s0 =	sadd.s32 $0x8F2B, s0  }
0xbe: {  	[sflag:s0] =	ssyncadd.remote.s32 $0x1  }
0xbf: {  	_ =	sfence.sel $0xFFFF  }
0xc0: {  	[dreg:$0x0] =	wrdreg $0xFFFFFFFF;
	(pc) =	sbr.abs _section_cstart, $3  }
0xc1: {  	[dreg:$0x1] =	wrdreg $0xFFFFFFFF  }
0xc2: {  	_ =	task.clear_ibuf [dreg:s7], $0x2FFFF;
	_ =	strace $0x9FFFFFFF  }
0xc3: {  	(tm) =	ssettm $0x7FFFFFFF  }
tec
execute0_lowered:
.L_overlay_start_1:
0x0: {  	(tag) =	ssettag $0x1  }
0x1: {  	s1 =	rddreg [dreg:$0x0]  }
0x2: {  	s2 =	srdreg.scid;
	s6 =	rddreg [dreg:$0x1]  }
0x3: {  	s0 =	stileid.u32;
	s3 =	rddreg [dreg:$0x2]  }
0x4: {  	s4 =	simm.s32 $0x0;
	s14 =	simm.s32 $0x80;
	s15 =	simm.s32 $0x5000  }
0x5: {  	s16 =	simm.s32 $0x1;
	s17 =	simm.s32 $0x0;
	s8 =	smul.u32 $0x13C00, s0  }
0x6: {  	s5 =	sand.u32 $0x1, s2;
	s26 =	sshll.u32 s0, $0x1;
	s29 =	smul.u32 $0x4F000, s0  }
0x7: {  	[smem:$0x7FF] =	sst s4;
	s2 =	sor.u32 s5, s26;
	s9 =	smul.u32 $0x13C000, s5  }
0x8: {  	s31 =	sshll.u32 s0, $0x6;
	s5 =	ssub.s32 $0x2, s5;
	s7 =	smul.u32 $0x500, s2  }
0x9: {  	s2 =	rddreg [dreg:$0x3];
	_ =	strace $0x8000004A;
	s28 =	sshrl.u32 s8, $0x3  }
0xa: {  	s11 =	sshrl.u32 s5, $0x1;
	s30 =	sshrl.u32 s29, $0x2;
	s8 =	sadd.s32 s8, s9  }
0xb: {  	s11 =	ssub.s32 s5, s11;
	s13 =	sadd.s32 s30, s3;
	s8 =	sshrl.u32 s8, $0x3  }
0xc: {  	s10 =	sadd.s32 s7, s6;
	s7 =	sadd.s32 s28, s6;
	s12 =	sadd.s32 s8, s6  }
0xd: {  	s5 =	sadd.s32 $0x15600, s7;
	s6 =	sor.u32 $0x1C02, s31;
	s7 =	sadd.s32 $0xB600, s10  }
0xe: {  	s8 =	sadd.s32 $0x1000, s10;
	s10 =	smax.u32 s11, $0x1;
	s11 =	sshrl.u32 s13, $0x3  }
0xf: {  	s13 =	simm.s32 $0x2800;
	s9 =	sadd.s32 $0x3CE00, s12;
	s12 =	simm.s32 $0x2  }
.LBB2_1:
0x10: {  	[spmem:s11], [sflag:s6] =	dma.local [hbm:s5], $0x2780  }
0x11: {  	_ =	swait.ge [sflag:s12], $0x2780  }
0x12: {  	[sflag:s12] =	ssyncset.done $0x0  }
0x13: {  	[sflag:s12] =	ssyncadd.s32 $0xFFFFD880  }
0x14: {  	[tilespmem:s4], [sflag:$0x2] =	stream.linear.gather [hbm4b:s7+s4], $0x2780, $0x38;
	[tilespmem:$0x1CC00] =	vst v63  }
0x15: {  	_ =	swait.ge [sflag:s12], $0x2780  }
0x16: {  	[sflag:s12] =	ssyncset.done $0x0  }
0x17: {  	[sflag:s12] =	ssyncadd.s32 $0xFFFFD880  }
0x18: {  	[tilespmem:s13], [sflag:$0x2] =	stream.linear.gather [hbm4b:s8+s4], $0x2780, $0x38;
	[tilespmem:$0x1CC00] =	vst v63  }
0x19: {  	_ =	swait.ge [sflag:s12], $0x2780  }
0x1a: {  	[sflag:s12] =	ssyncset.done $0x0  }
0x1b: {  	[sflag:s12] =	ssyncadd.s32 $0xFFFFD880  }
0x1c: {  	s18 =	simm.s32 $0x0;
	[bflag:$0x0] =	sbarrier.arrive $0xFFFF  }
0x1d: {  	[tilespmem:s15], [sflag:$0x1] =	stream.indirect.gather [hbm4b:s1+s14], $0x80, s18, s14, $0xb8;
	[tilespmem:$0x1CC00] =	vst v63  }
0x1e: {  	_ =	swait.ge [sflag:s16], $0x4000  }
0x1f: {  	[sflag:s16] =	ssyncset.done $0x0  }
0x20: {  	s31 =	simm.s32 $0x2800;
	[sflag:s16] =	ssyncadd.s32 $0xFFFFC000  }
0x21: {  	[spmem:s3] =	stream.indirect.scatter.add.f32 [tilespmem:s15], [sflag:$0x2], $0x80, s31, s14, $0xb8;
	[tilespmem:$0x1CC00] =	vst v63  }
0x22: {  	_ =	swait.ge [sflag:s12], $0x4000  }
0x23: {  	s19 =	simm.s32 $0x400;
	s18 =	simm.s32 $0x200;
	[sflag:s12] =	ssyncset.done $0x0  }
.LBB2_2:
0x24: {  	s20 =	sshra.s32 s18, $0x2  }
0x25: {  	[sflag:s12] =	ssyncadd.s32 $0xFFFFC000;
	s18 =	smov.u32 s19;
	s21 =	sadd.s32 $0x200, s19  }
0x26: {  	[tilespmem:s15], [sflag:$0x1] =	stream.indirect.gather [hbm4b:s1+s14], $0x80, s20, s14, $0xb8;
	[tilespmem:$0x1CC00] =	vst v63  }
0x27: {  	p0 =	sne.s32 s19, $0x9C00;
	_ =	swait.ge [sflag:s16], $0x4000  }
.Ltmp0:
0x28: {  	[sflag:s16] =	ssyncset.done $0x0;
	(pc) =	sbr.rel @p0 .LBB2_2-.Ltmp0, $4  }
0x29: {  	s19 =	sadd.s32 $0x2800, s20;
	[sflag:s16] =	ssyncadd.s32 $0xFFFFC000  }
0x2a: {  	[spmem:s3] =	stream.indirect.scatter.add.f32 [tilespmem:s15], [sflag:$0x2], $0x80, s19, s14, $0xb8;
	[tilespmem:$0x1CC00] =	vst v63  }
0x2b: {  	_ =	swait.ge [sflag:s12], $0x4000  }
0x2c: {  	s19 =	smov.u32 s21;
	[sflag:s12] =	ssyncset.done $0x0  }
0x2d: {  	s18 =	sshra.s32 s18, $0x2;
	[sflag:s12] =	ssyncadd.s32 $0xFFFFC000  }
0x2e: {  	[tilespmem:s15], [sflag:$0x1] =	stream.indirect.gather [hbm4b:s1+s14], $0x80, s18, s14, $0xb8;
	[tilespmem:$0x1CC00] =	vst v63  }
0x2f: {  	_ =	swait.ge [sflag:s16], $0x4000  }
0x30: {  	[sflag:s16] =	ssyncset.done $0x0  }
0x31: {  	s18 =	sadd.s32 $0x2800, s18;
	[sflag:s16] =	ssyncadd.s32 $0xFFFFC000  }
0x32: {  	[spmem:s3] =	stream.indirect.scatter.add.f32 [tilespmem:s15], [sflag:$0x2], $0x80, s18, s14, $0xb8;
	[tilespmem:$0x1CC00] =	vst v63  }
0x33: {  	_ =	swait.ge [sflag:s12], $0x4000  }
0x34: {  	s17 =	sadd.s32 $0x1, s17;
	[sflag:s12] =	ssyncset.done $0x0  }
0x35: {  	p0 =	sne.s32 s17, s10;
	[sflag:s12] =	ssyncadd.s32 $0xFFFFC000  }
.Ltmp1:
0x36: {  	[bflag:$0x0] =	sbarrier.arrive $0xFFFF;
	(pc) =	sbr.rel @p0 .LBB2_1-.Ltmp1, $4  }
0x37: {  	[hbm:s9], [sflag:s6] =	dma.local [spmem:s11], $0x2780  }
0x38: {  	_ =	swait.ge [sflag:s12], $0x2780  }
0x39: {  	[sflag:s12] =	ssyncset.done $0x0  }
0x3a: {  	[sflag:s12] =	ssyncadd.s32 $0xFFFFD880  }
0x3b: {  	_ =	sfence.sel $0x180000  }
0x3c: {  	[bflag:$0x0] =	sbarrier.arrive $0xFFFF  }
0x3d: {  	p0 =	sne.s32 s0, $0x0;
	_ =	strace $0x9000004A  }
0x3e: {  	s0 =	sadd.s32 @!p0 $0x100000, s2;
	[bflag:$0x2] =	sbarrier.arrive $0xFFFF  }
0x3f: {  	[sflag:s0] =	ssyncadd.tile.s32 @!p0 $0x1;
	_ =	shalt  }
.Lfunc_end2:
_tile_overlayer_lowered:
.L_overlay_start_2:
0x40: {  	(tag) =	ssettag $0x2  }
0x41: {  	s0 =	rddreg [dreg:$0x0];
	s2 =	stileid.u32  }
0x42: {  	s1 =	rddreg [dreg:$0x1];
	p0 =	sne.s32 s2, $0x0  }
0x43: {  	s3 =	rddreg [dreg:$0x2];
	[bflag:$0x3] =	sbarrier.arrive $0xFFFF;
	s2 =	simm.s32 @!p0 $0x1C02  }
0x44: {  	[timem:s3], [sflag:s2] =	dma.local @!p0 [hbm:s0], s1  }
0x45: {  	s0 =	simm.s32 @!p0 $0x2  }
0x46: {  	_ =	swait.ge @!p0 [sflag:s0], s1  }
0x47: {  	s1 =	ssub.s32 @!p0 $0x0, s1;
	[sflag:s0] =	ssyncset.done @!p0 $0x0  }
0x48: {  	[sflag:s0] =	ssyncadd.s32 @!p0 s1  }
0x49: {  	[bflag:$0x3] =	sbarrier.arrive $0xFFFF  }
0x4a: {  	_ =	shalt  }

// kernel: kernel.7.cloned.1.call-start
scs
__scs_entry_jumppad:
0x0: {  	(pc) =	sbr.rel $0x88, $3  }
0x1: {  	(tag) =	ssettag $0x0;
	lr =	simm.s32 $0x1  }
0x2: {  	[smem:$0x3F9D] =	sst lr;
	_ =	strace $0xD0000000  }
0x3: {  	_ = 	snop  }
0x4: {  	_ = 	snop  }
0x5: {  	_ = 	snop  }
0x6: {  	_ = 	snop  }
0x7: {  	_ = 	snop  }
__scs_overlays_trampoline_lowered:
0x8: {  	[smem:$0x3FAC] =	sst s0  }
0x9: {  	[smem:$0x3FAD] =	sst s1  }
0xa: {  	[smem:$0x3FAE] =	sst s2  }
0xb: {  	[smem:$0x3FAF] =	sst s3  }
0xc: {  	[smem:$0x3FB0] =	sst s4  }
0xd: {  	[smem:$0x3FB1] =	sst s5  }
0xe: {  	[smem:$0x3FB2] =	sst s6  }
0xf: {  	[smem:$0x3FB3] =	sst s7  }
0x10: {  	[smem:$0x3FB4] =	sst s8  }
0x11: {  	[smem:$0x3FB5] =	sst s9;
	s0 =	simm.s32 @!p0 $0x0  }
0x12: {  	s1 =	sld [smem:$0x3F9B];
	s0 =	simm.s32 @p0 $0x1  }
0x13: {  	[smem:$0x3FB6] =	sst s0;
	s0 =	simm.s32 @!p1 $0x0  }
0x14: {  	s2 =	sld [smem:$0x3F9A];
	s0 =	simm.s32 @p1 $0x1  }
0x15: {  	[smem:$0x3FB7] =	sst s0;
	s0 =	simm.s32 @!p2 $0x0  }
0x16: {  	s3 =	sld [smem:$0x3FDB];
	s0 =	simm.s32 @p2 $0x1  }
0x17: {  	s4 =	simm.s32 $0x1BF5;
	[smem:$0x3FB9] =	sst s0  }
0x18: {  	s0 =	sld [smem:$0x3F9C];
	_ =	swait.ge [sflag:s4], $0x0  }
0x19: {  	s7 =	sld [smem:$0x3F9D]  }
0x1a: {  	s8 =	sadd.s32 $0xFFFFE003, lr  }
0x1b: {  	s9 =	sadd.s32 $0xFFFFFEF7, lr;
	s5 =	simm.s32 $0xFFFFFFFF;
	p2 =	slt.u32 s8, $0xFFFFF086  }
0x1c: {  	p1 =	slt.u32 s9, $0xF7A;
	s5 =	simm.s32 @!p2 $0x0  }
0x1d: {  	s5 =	simm.s32 @p1 $0x1;
	p0 =	seq.s32 s7, s2  }
0x1e: {  	s7 =	smul.u32 @!p0 $0xF7A, s2;
	p2 =	seq.s32 @!p0 s5, $0x0  }
0x1f: {  	s9 =	smul.u32 $0xF7A, s1;
	s8 =	simm.s32 @!p0 $0x1BF5;
	p2 =	por !p2, p0  }
0x20: {  	[sflag:s8] =	ssyncset.s32 @!p0 $0xFFFFF086;
	s6 =	sadd.s32 @!p0 s3, s7;
	s7 =	simm.s32 @!p0 $0x108  }
0x21: {  	s3 =	sadd.s32 s3, s9;
	s6 =	sadd.s32 @!p0 $0x88, s6;
	s7 =	simm.s32 @p2 $0x1082  }
0x22: {  	[simem:s7], [sflag:s8] =	dma.local @!p0 [hbm:s6], $0xF7A  }
0x23: {  	s9 =	sor.u32 $0xD0000000, s2;
	s6 =	simm.s32 $0x108;
	_ =	swait.ge @!p0 [sflag:s8], $0x0  }
0x24: {  	s3 =	sadd.s32 $0x88, s3;
	s6 =	simm.s32 @!p1 $0x1082;
	[sflag:s4] =	ssyncset.s32 $0xFFFFF086  }
0x25: {  	[simem:s6], [sflag:s4] =	dma.local [hbm:s3], $0xF7A  }
0x26: {  	[smem:$0x3F9D] =	sst s1;
	(tag) =	ssettag s2;
	_ =	strace s9  }
0x27: {  	s1 =	sld [smem:$0x3FAD]  }
0x28: {  	s2 =	sld [smem:$0x3FAE]  }
0x29: {  	s4 =	sld [smem:$0x3FB0]  }
0x2a: {  	p0 =	seq.s32 s5, $0x0;
	s5 =	sld [smem:$0x3FB1]  }
0x2b: {  	s6 =	sld [smem:$0x3FB2]  }
0x2c: {  	s7 =	sld [smem:$0x3FB3]  }
0x2d: {  	s3 =	simm.s32 $0x108;
	s8 =	sld [smem:$0x3FB4]  }
0x2e: {  	s3 =	simm.s32 @!p0 $0x1082;
	s9 =	sld [smem:$0x3FB5]  }
0x2f: {  	lr =	sadd.s32 s0, s3;
	s0 =	sld [smem:$0x3FAC]  }
0x30: {  	s3 =	sld [smem:$0x3FAF]  }
0x31: {  	[smem:$0x3FB8] =	sst s10  }
0x32: {  	s10 =	sld [smem:$0x3FB6];
	_ =	sdelay $0x3  }
0x33: {  	p0 =	seq.s32 s10, $0x1;
	s10 =	sld [smem:$0x3FB8];
	_ =	sdelay $0x3  }
0x34: {  	[smem:$0x3FB8] =	sst s10  }
0x35: {  	s10 =	sld [smem:$0x3FB7];
	_ =	sdelay $0x3  }
0x36: {  	p1 =	seq.s32 s10, $0x1;
	s10 =	sld [smem:$0x3FB8];
	_ =	sdelay $0x3  }
0x37: {  	[smem:$0x3FB8] =	sst s10  }
0x38: {  	s10 =	sld [smem:$0x3FB9]  }
0x39: {  	_ = 	snop;
	(pc) =	sbr.ind lr, $3  }
0x3a: {  	_ = 	snop  }
0x3b: {  	_ = 	snop  }
0x3c: {  	p2 =	seq.s32 s10, $0x1;
	s10 =	sld [smem:$0x3FB8]  }
0x3d: {  	_ =	shalt  }
0x3e: {  	_ =	shalt  }
0x3f: {  	_ =	shalt  }
0x40: {  	_ =	shalt  }
0x41: {  	_ =	shalt  }
0x42: {  	_ =	shalt  }
0x43: {  	_ =	shalt  }
0x44: {  	_ =	shalt  }
0x45: {  	_ =	shalt  }
0x46: {  	_ =	shalt  }
0x47: {  	_ =	shalt  }
0x48: {  	_ =	shalt  }
0x49: {  	_ =	shalt  }
0x4a: {  	_ =	shalt  }
0x4b: {  	_ =	shalt  }
0x4c: {  	_ =	shalt  }
0x4d: {  	_ =	shalt  }
0x4e: {  	_ =	shalt  }
0x4f: {  	_ =	shalt  }
0x50: {  	_ =	shalt  }
0x51: {  	_ =	shalt  }
0x52: {  	_ =	shalt  }
0x53: {  	_ =	shalt  }
0x54: {  	_ =	shalt  }
0x55: {  	_ =	shalt  }
0x56: {  	_ =	shalt  }
0x57: {  	_ =	shalt  }
0x58: {  	_ =	shalt  }
0x59: {  	_ =	shalt  }
0x5a: {  	_ =	shalt  }
0x5b: {  	_ =	shalt  }
0x5c: {  	_ =	shalt  }
0x5d: {  	_ =	shalt  }
0x5e: {  	_ =	shalt  }
0x5f: {  	_ =	shalt  }
0x60: {  	_ =	shalt  }
0x61: {  	_ =	shalt  }
0x62: {  	_ =	shalt  }
0x63: {  	_ =	shalt  }
0x64: {  	_ =	shalt  }
0x65: {  	_ =	shalt  }
0x66: {  	_ =	shalt  }
0x67: {  	_ =	shalt  }
0x68: {  	_ =	shalt  }
0x69: {  	_ =	shalt  }
0x6a: {  	_ =	shalt  }
0x6b: {  	_ =	shalt  }
0x6c: {  	_ =	shalt  }
0x6d: {  	_ =	shalt  }
0x6e: {  	_ =	shalt  }
0x6f: {  	_ =	shalt  }
0x70: {  	_ =	shalt  }
0x71: {  	_ =	shalt  }
0x72: {  	_ =	shalt  }
0x73: {  	_ =	shalt  }
0x74: {  	_ =	shalt  }
0x75: {  	_ =	shalt  }
0x76: {  	_ =	shalt  }
0x77: {  	_ =	shalt  }
0x78: {  	_ =	shalt  }
0x79: {  	_ =	shalt  }
0x7a: {  	_ =	shalt  }
0x7b: {  	_ =	shalt  }
0x7c: {  	_ =	shalt  }
0x7d: {  	_ =	shalt  }
0x7e: {  	_ =	shalt  }
0x7f: {  	_ =	shalt  }
0x80: {  	_ =	shalt  }
0x81: {  	_ =	shalt  }
0x82: {  	_ =	shalt  }
0x83: {  	_ =	shalt  }
0x84: {  	_ =	shalt  }
0x85: {  	_ =	shalt  }
0x86: {  	_ =	shalt  }
0x87: {  	_ =	shalt  }
.Lfunc_end0:
.L_simem_size_0:
called_computation_lowered:
.L_overlay_start_0:
0x88: {  	s2 =	sld [smem:$0x3FD9]  }
0x89: {  	s3 =	sld [smem:$0x3FFE];
	_ =	sdelay $0x1  }
0x8a: {  	s1 =	srdreg.scid  }
0x8b: {  	s0 =	sand.u32 $0x1, s1  }
0x8c: {  	s17 =	sshll.u32 s0, $0xA;
	s2 =	sadd.s32 s3, s2  }
0x8d: {  	s2 =	sadd.s32 s2, s17  }
0x8e: {  	[smem:$0x3FC4] =	sst s2  }
0x8f: {  	_ = 	snop  }
0x90: {  	s2 =	sld [smem:$0x3FD0];
	(tm) =	ssettm $0x1  }
0x91: {  	s18 =	sld [smem:$0x3FFB];
	_ =	sdelay $0x3  }
0x92: {  	_ =	strace s18  }
0x93: {  	s3 =	sld [smem:$0x3FFC];
	_ =	sdelay $0x3  }
0x94: {  	_ =	strace s3  }
0x95: {  	s3 =	sld [smem:$0x3FFD];
	_ =	sdelay $0x3  }
0x96: {  	_ =	strace s3  }
0x97: {  	_ =	strace $0x8FFFFFFF  }
0x98: {  	s19 =	sld [smem:$0x3FDB];
	_ =	sdelay $0x1  }
0x99: {  	s4 =	simm.s32 $_scs_section_size  }
0x9a: {  	s5 =	simm.s32 $_size__tile_overlayer_lowered;
	s6 =	simm.s32 $_tile_overlayer_lowered  }
0x9b: {  	s22 =	simm.s32 $0x1BFF;
	s21 =	sshll.u32 s6, $0x1;
	s3 =	sadd.s32 s4, s19  }
0x9c: {  	s7 =	simm.s32 $0x0;
	s20 =	sshll.u32 s5, $0x1;
	s5 =	sadd.s32 s21, s3  }
0x9d: {  	[timem:s7], [sflag:s22] =	dma.local [hbm:s5], s20  }
0x9e: {  	_ =	swait.ge [sflag:s22], s20  }
0x9f: {  	s4 =	ssub.s32 $0x0, s20;
	[sflag:s22] =	ssyncset.done $0x0  }
0xa0: {  	[sflag:s22] =	ssyncadd.s32 s4;
	_ =	sdelay $0x1  }
0xa1: {  	s23 =	simm.s32 $0x1B8B  }
0xa2: {  	_ =	swait.ge [sflag:s23], $0x1  }
0xa3: {  	[sflag:s23] =	ssyncset.done $0x0  }
0xa4: {  	s25 =	simm.s32 $0x1B8E;
	s24 =	sld [smem:$0x3FFE];
	[sflag:s23] =	ssyncadd.s32 $0xFFFFFFFF  }
0xa5: {  	s26 =	simm.s32 $execute0_lowered;
	[smem:$0x3FD2] =	sst s25  }
0xa6: {  	s5 =	sshll.u32 s26, $0x1;
	_ =	strace $0x80000046;
	[dreg:$0x1] =	wrdreg $0xFFFFFFFF  }
0xa7: {  	s28 =	simm.s32 $_size_execute0_lowered;
	s3 =	sadd.s32 s3, s5;
	[dreg:$0x0] =	wrdreg $0x0  }
0xa8: {  	s5 =	sshll.u32 s28, $0x1;
	[dreg:$0x2] =	wrdreg s3  }
0xa9: {  	[dreg:$0x3] =	wrdreg s5  }
0xaa: {  	[dreg:$0x4] =	wrdreg $0xC0  }
0xab: {  	_ =	task [dreg:s7], $0x5FFFF  }
0xac: {  	[dreg:$0x1] =	wrdreg $0xFFFFFFFF  }
0xad: {  	[dreg:$0x0] =	wrdreg $0x60  }
0xae: {  	[dreg:$0x2] =	wrdreg s24  }
0xaf: {  	[dreg:$0x3] =	wrdreg s2  }
0xb0: {  	[dreg:$0x4] =	wrdreg $0x50800  }
0xb1: {  	[dreg:$0x5] =	wrdreg $0x9  }
0xb2: {  	_ =	task.clear_ibuf [dreg:s7], $0x6FFFF;
	_ =	strace $0x90000046  }
0xb3: {  	s29 =	simm.s32 $0x9;
	_ =	strace $0x80000048  }
0xb4: {  	_ =	swait.ge [sflag:s29], $0x1  }
0xb5: {  	[sflag:s29] =	ssyncadd.s32 $0xFFFFFFFF  }
0xb6: {  	_ =	strace $0x90000048  }
0xb7: {  	_ =	sfence  }
0xb8: {  	s30 =	sld [smem:$0x0];
	_ =	sdelay $0x2  }
0xb9: {  	s31 =	sshll.u32 s1, $0xD;
	s1 =	sshrl.u32 s1, $0x2  }
0xba: {  	s3 =	sand.u32 $0x4000, s31;
	s1 =	sadd.s32 s1, s30  }
0xbb: {  	s0 =	sor.u32 s3, s0;
	s1 =	sshll.u32 s1, $0x11  }
0xbc: {  	s0 =	sor.u32 s1, s0  }
0xbd: {  	s0 =	sadd.s32 $0x8F2B, s0  }
0xbe: {  	[sflag:s0] =	ssyncadd.remote.s32 $0x1  }
0xbf: {  	_ =	sfence.sel $0xFFFF  }
0xc0: {  	[dreg:$0x0] =	wrdreg $0xFFFFFFFF;
	(pc) =	sbr.abs _section_cstart, $3  }
0xc1: {  	[dreg:$0x1] =	wrdreg $0xFFFFFFFF  }
0xc2: {  	_ =	task.clear_ibuf [dreg:s7], $0x2FFFF;
	_ =	strace $0x9FFFFFFF  }
0xc3: {  	(tm) =	ssettm $0x7FFFFFFF  }
tec
execute0_lowered:
.L_overlay_start_1:
0x0: {  	(tag) =	ssettag $0x1  }
0x1: {  	s3 =	rddreg [dreg:$0x0];
	s0 =	srdreg.scid  }
0x2: {  	s12 =	stileid.u32;
	s5 =	rddreg [dreg:$0x1]  }
0x3: {  	s1 =	rddreg [dreg:$0x2];
	s2 =	simm.s32 $0x0;
	s10 =	simm.s32 $0x50  }
0x4: {  	s11 =	simm.s32 $0x5000;
	s4 =	sand.u32 $0x1, s0;
	s0 =	rddreg [dreg:$0x3]  }
0x5: {  	s14 =	simm.s32 $0x0;
	s31 =	sshll.u32 s12, $0x1;
	[smem:$0x7FF] =	sst s2  }
0x6: {  	s8 =	sshll.u32 s12, $0xA;
	p0 =	sne.s32 s12, $0x0;
	p1 =	sgt.u32 s12, $0x9  }
0x7: {  	s6 =	sor.u32 s4, s31;
	s7 =	smul.u32 $0x2800, s4;
	_ =	strace $0x80000047  }
0x8: {  	s4 =	ssub.s32 $0x2, s4;
	s13 =	sadd.s32 s8, s1;
	s12 =	sshll.u32 @!p1 s12, $0x6  }
0x9: {  	s6 =	smul.u32 $0x500, s6;
	s9 =	sshrl.u32 s4, $0x1;
	s12 =	sor.u32 @!p1 $0x1C01, s12  }
0xa: {  	s13 =	sshrl.u32 @!p1 s13, $0x3;
	s7 =	sadd.s32 s8, s7;
	s9 =	ssub.s32 s4, s9  }
0xb: {  	v0 =	vlaneseq.u32;
	s8 =	simm.s32 $0x1;
	s6 =	sadd.s32 s6, s3;
	s7 =	sshrl.u32 s7, $0x3  }
0xc: {  	v5 =	vimm.f32 $1.000000000e+00;
	v1 =	vor.u32 $0x10, v0;
	s3 =	sadd.s32 $0xB000, s3;
	s4 =	sadd.s32 $0x1000, s6;
	s5 =	sadd.s32 s5, s7  }
0xd: {  	v2 =	vor.u32 $0x20, v0;
	v3 =	vor.u32 $0x30, v0;
	v4 =	vor.u32 $0x40, v0;
	s6 =	smax.u32 s9, $0x1;
	s7 =	simm.s32 $0x2800;
	s9 =	sshrl.u32 @!p0 s1, $0x3  }
.LBB2_1:
0xe: {  	[tilespmem:s7], [sflag:$0x1] =	stream.linear.gather [hbm4b:s3+s2], $0x2800, $0x38;
	[tilespmem:$0x5300] =	vst v63  }
0xf: {  	_ =	swait.ge [sflag:s8], $0x2800  }
0x10: {  	[sflag:s8] =	ssyncset.done $0x0  }
0x11: {  	s15 =	simm.s32 @!p0 $0x1C01;
	[sflag:s8] =	ssyncadd.s32 $0xFFFFD800  }
0x12: {  	[spmem:s9], [sflag:s15] =	dma.local @!p0 [hbm:s3], $0x500  }
0x13: {  	s15 =	simm.s32 @!p0 $0x1  }
0x14: {  	_ =	swait.ge @!p0 [sflag:s15], $0x500  }
0x15: {  	[sflag:s15] =	ssyncset.done @!p0 $0x0  }
0x16: {  	[sflag:s15] =	ssyncadd.s32 @!p0 $0xFFFFFB00  }
0x17: {  	[tilespmem:s2], [sflag:$0x1] =	stream.linear.gather [hbm4b:s4+s2], $0x2780, $0x38;
	[tilespmem:$0x5300] =	vst v63  }
0x18: {  	_ =	swait.ge [sflag:s8], $0x2780  }
0x19: {  	[sflag:s8] =	ssyncset.done $0x0  }
0x1a: {  	[sflag:s8] =	ssyncadd.s32 $0xFFFFD880  }
0x1b: {  	[tilespmem:$0x5000] =	vst v0  }
0x1c: {  	[tilespmem:$0x5010] =	vst v1  }
0x1d: {  	[tilespmem:$0x5020] =	vst v2  }
0x1e: {  	[tilespmem:$0x5030] =	vst v3  }
0x1f: {  	[tilespmem:$0x5040] =	vst v4  }
0x20: {  	s15 =	simm.s32 $0x0;
	[bflag:$0x0] =	sbarrier.arrive $0xFFFF  }
.LBB2_2:
0x21: {  	s16 =	sshra.s32 s15, $0x2  }
0x22: {  	v6 =	vld [tilespmem:s16+$0x0];
	_ =	sdelay $0x7  }
0x23: {  	[tilespmem:v6+s7+$0x0] =	vst.idx.add.f32.msk $0xffff, v5  }
0x24: {  	v6 =	vld [tilespmem:s16+$0x10];
	_ =	sdelay $0x7  }
0x25: {  	[tilespmem:v6+s7+$0x0] =	vst.idx.add.f32.msk $0xffff, v5  }
0x26: {  	v6 =	vld [tilespmem:s16+$0x20];
	_ =	sdelay $0x7  }
0x27: {  	[tilespmem:v6+s7+$0x0] =	vst.idx.add.f32.msk $0xffff, v5  }
0x28: {  	v6 =	vld [tilespmem:s16+$0x30];
	_ =	sdelay $0x7  }
0x29: {  	[tilespmem:v6+s7+$0x0] =	vst.idx.add.f32.msk $0xffff, v5  }
0x2a: {  	v6 =	vld [tilespmem:s16+$0x40];
	_ =	sdelay $0x7  }
0x2b: {  	[tilespmem:v6+s7+$0x0] =	vst.idx.add.f32.msk $0xffff, v5  }
0x2c: {  	v6 =	vld [tilespmem:s16+$0x50];
	_ =	sdelay $0x7  }
0x2d: {  	[tilespmem:v6+s7+$0x0] =	vst.idx.add.f32.msk $0xffff, v5  }
0x2e: {  	v6 =	vld [tilespmem:s16+$0x60];
	_ =	sdelay $0x7  }
0x2f: {  	[tilespmem:v6+s7+$0x0] =	vst.idx.add.f32.msk $0xffff, v5  }
0x30: {  	v6 =	vld [tilespmem:s16+$0x70];
	_ =	sdelay $0x2  }
0x31: {  	p2 =	sne.s32 s15, $0x9C00  }
.Ltmp0:
0x32: {  	_ = 	snop;
	(pc) =	sbr.rel @p2 .LBB2_2-.Ltmp0, $2  }
0x33: {  	_ =	sdelay $0x2  }
0x34: {  	s15 =	sadd.s32 $0x200, s15;
	[tilespmem:v6+s7+$0x0] =	vst.idx.add.f32.msk $0xffff, v5  }
0x35: {  	[spmem:s1] =	stream.indirect.scatter.add.f32 [tilespmem:s7], [sflag:$0x1], $0x80, s11, s10, $0xb8;
	[tilespmem:$0x5300] =	vst v63  }
0x36: {  	_ =	swait.ge [sflag:s8], $0x2800  }
0x37: {  	s14 =	sadd.s32 $0x1, s14;
	[sflag:s8] =	ssyncset.done $0x0  }
0x38: {  	p2 =	sne.s32 s14, s6;
	[sflag:s8] =	ssyncadd.s32 $0xFFFFD800  }
.Ltmp1:
0x39: {  	s15 =	simm.s32 @!p1 $0x1;
	[bflag:$0x0] =	sbarrier.arrive $0xFFFF;
	(pc) =	sbr.rel @p2 .LBB2_1-.Ltmp1, $4  }
0x3a: {  	[hbm:s5], [sflag:s12] =	dma.local @!p1 [spmem:s13], $0x80  }
0x3b: {  	_ =	swait.ge @!p1 [sflag:s15], $0x80  }
0x3c: {  	[sflag:s15] =	ssyncset.done @!p1 $0x0  }
0x3d: {  	[sflag:s15] =	ssyncadd.s32 @!p1 $0xFFFFFF80  }
0x3e: {  	_ =	sfence.sel $0x180000  }
0x3f: {  	[bflag:$0x0] =	sbarrier.arrive $0xFFFF  }
0x40: {  	_ =	strace $0x90000047  }
0x41: {  	s0 =	sadd.s32 @!p0 $0x100000, s0;
	[bflag:$0x2] =	sbarrier.arrive $0xFFFF  }
0x42: {  	[sflag:s0] =	ssyncadd.tile.s32 @!p0 $0x1;
	_ =	shalt  }
.Lfunc_end2:
_tile_overlayer_lowered:
.L_overlay_start_2:
0x43: {  	(tag) =	ssettag $0x2  }
0x44: {  	s0 =	rddreg [dreg:$0x0];
	s2 =	stileid.u32  }
0x45: {  	s1 =	rddreg [dreg:$0x1];
	p0 =	sne.s32 s2, $0x0  }
0x46: {  	s3 =	rddreg [dreg:$0x2];
	[bflag:$0x3] =	sbarrier.arrive $0xFFFF;
	s2 =	simm.s32 @!p0 $0x1C01  }
0x47: {  	[timem:s3], [sflag:s2] =	dma.local @!p0 [hbm:s0], s1  }
0x48: {  	s0 =	simm.s32 @!p0 $0x1  }
0x49: {  	_ =	swait.ge @!p0 [sflag:s0], s1  }
0x4a: {  	s1 =	ssub.s32 @!p0 $0x0, s1;
	[sflag:s0] =	ssyncset.done @!p0 $0x0  }
0x4b: {  	[sflag:s0] =	ssyncadd.s32 @!p0 s1  }
0x4c: {  	[bflag:$0x3] =	sbarrier.arrive $0xFFFF  }
0x4d: {  	_ =	shalt  }

</sc_bundles>
